<compile_context>
chip_gen: v7x
topology: tpu7x:2x2x1
jax: 0.10.2.dev20260603
libtpu: 0.0.44.dev20260713+nightly
codegen_flags: <defaults>
</compile_context>

<pallas_src>
import jax
import jax.numpy as jnp
from jax import lax
from jax.experimental import pallas as pl
from jax.experimental.pallas import tpu as pltpu
from jax.experimental.pallas import tpu_sc as plsc

_N = 100_000
_E = 6_400_000
_G = 1024
_NC = 2
_NS = 16
_NW = _NC * _NS
_B = 80
_NB = 50
_C = _B * _NB
_NCHUNK = 50
_GB = 1024
_NSLOT = 5


def _sc_body(tab, src2, dst2, out_s, out_c,
             sidx, didx, srows, drows, accs, accc, red, sem_a, sem_b):
    wid = lax.axis_index("s") * _NC + lax.axis_index("c")

    lanes = lax.iota(jnp.int32, 16)
    zeros16 = jnp.zeros((16,), jnp.float32)
    ones16 = jnp.ones((16,), jnp.float32)
    col0 = jnp.zeros((16,), jnp.int32)
    col1 = col0 + 1
    col2 = col0 + 2
    col3 = col0 + 3

    def zero_body(i, _):
        accs[pl.ds(i * 16, 16)] = zeros16
        accc[pl.ds(i * 16, 16)] = zeros16
        return _
    lax.fori_loop(0, 16 * _GB // 16, zero_body, None)

    def compute_slot(b):
        def vec_body(v, _):
            row = b * _B + v * 16 + lanes
            sx = plsc.load_gather(srows, [row, col0])
            sy = plsc.load_gather(srows, [row, col1])
            sz = plsc.load_gather(srows, [row, col2])
            sb = plsc.load_gather(srows, [row, col3])
            tx = plsc.load_gather(drows, [row, col0])
            ty = plsc.load_gather(drows, [row, col1])
            tz = plsc.load_gather(drows, [row, col2])
            dx = sx - tx
            dy = sy - ty
            dz = sz - tz
            n2 = dx * dx + dy * dy + dz * dz
            yi = jnp.int32(0x5F3759DF) - lax.shift_right_arithmetic(
                lax.bitcast_convert_type(n2, jnp.int32), 1)
            y = lax.bitcast_convert_type(yi, jnp.float32)
            y = y * (1.5 - 0.5 * n2 * y * y)
            y = y * (1.5 - 0.5 * n2 * y * y)
            y = y * (1.5 - 0.5 * n2 * y * y)
            eu = jnp.where(n2 > 0.0, n2 * y, 0.0)
            ev = (eu - 1.0) * (eu - 1.0)
            g = lanes * _GB + sb.astype(jnp.int32)
            plsc.addupdate_scatter(accs, [g], ev)
            plsc.addupdate_scatter(accc, [g], ones16)
            return _
        lax.fori_loop(0, _B // 16, vec_body, None)

    def fire_block(j, b):
        pltpu.async_copy(
            tab.at[sidx.at[j]], srows.at[pl.ds(b * _B, _B)], sem_a.at[b])
        pltpu.async_copy(
            tab.at[didx.at[j]], drows.at[pl.ds(b * _B, _B)], sem_b.at[b])

    def wait_slot(b):
        pltpu.make_async_copy(
            tab.at[pl.ds(0, _B)], srows.at[pl.ds(b * _B, _B)],
            sem_a.at[b]).wait()
        pltpu.make_async_copy(
            tab.at[pl.ds(0, _B)], drows.at[pl.ds(b * _B, _B)],
            sem_b.at[b]).wait()

    def chunk_body(ci, _):
        ro = (wid * _NCHUNK + ci) * _NB
        pltpu.sync_copy(src2.at[pl.ds(ro, _NB)], sidx)
        pltpu.sync_copy(dst2.at[pl.ds(ro, _NB)], didx)
        for b in range(_NSLOT):
            fire_block(b, b)

        def round_body(r, _):
            for b in range(_NSLOT):
                wait_slot(b)
                compute_slot(b)

                @pl.when(r < _NB // _NSLOT - 1)
                def _():
                    fire_block((r + 1) * _NSLOT + b, b)
            return _
        lax.fori_loop(0, _NB // _NSLOT, round_body, None)
        return _
    lax.fori_loop(0, _NCHUNK, chunk_body, None)

    def red_s_body(cb, _):
        c0 = cb * 16
        s = accs[pl.ds(c0, 16)]
        for r in range(1, 16):
            s = s + accs[pl.ds(r * _GB + c0, 16)]
        red[pl.ds(c0, 16)] = s
        return _
    lax.fori_loop(0, _G // 16, red_s_body, None)
    pltpu.sync_copy(red, out_s.at[wid])

    def red_c_body(cb, _):
        c0 = cb * 16
        s = accc[pl.ds(c0, 16)]
        for r in range(1, 16):
            s = s + accc[pl.ds(r * _GB + c0, 16)]
        red[pl.ds(c0, 16)] = s
        return _
    lax.fori_loop(0, _G // 16, red_c_body, None)
    pltpu.sync_copy(red, out_c.at[wid])


_sc_call = pl.kernel(
    _sc_body,
    out_type=(
        jax.ShapeDtypeStruct((_NW, _G), jnp.float32),
        jax.ShapeDtypeStruct((_NW, _G), jnp.float32),
    ),
    mesh=plsc.VectorSubcoreMesh(core_axis_name="c", subcore_axis_name="s"),
    compiler_params=pltpu.CompilerParams(
        needs_layout_passes=False, use_tc_tiling_on_sc=False),
    scratch_types=[
        pltpu.VMEM((_NB, _B), jnp.int32),
        pltpu.VMEM((_NB, _B), jnp.int32),
        pltpu.VMEM((_NSLOT * _B, 8), jnp.float32),
        pltpu.VMEM((_NSLOT * _B, 8), jnp.float32),
        pltpu.VMEM((16 * _GB,), jnp.float32),
        pltpu.VMEM((16 * _GB,), jnp.float32),
        pltpu.VMEM((_G,), jnp.float32),
        pltpu.SemaphoreType.DMA((_NSLOT,)),
        pltpu.SemaphoreType.DMA((_NSLOT,)),
    ],
)


def _final_body(s_ref, c_ref, o_ref):
    sums = jnp.sum(s_ref[...], axis=0)
    cnts = jnp.sum(c_ref[...], axis=0)
    gv = sums / jnp.maximum(cnts, 1.0)
    o_ref[0, 0] = jnp.sum(gv) * (1.0 / _G)


_final_call = pl.pallas_call(
    _final_body,
    out_shape=jax.ShapeDtypeStruct((1, 1), jnp.float32),
    out_specs=pl.BlockSpec(memory_space=pltpu.SMEM),
)


@jax.jit
def kernel(node_pos, raw_edge_index, batch):
    src2 = raw_edge_index[0].astype(jnp.int32).reshape(-1, _B)
    dst2 = raw_edge_index[1].astype(jnp.int32).reshape(-1, _B)
    tab = jnp.concatenate(
        [node_pos.astype(jnp.float32),
         batch.astype(jnp.float32)[:, None],
         jnp.zeros((_N, 4), jnp.float32)], axis=1)
    sums, cnts = _sc_call(tab, src2, dst2)
    out = _final_call(sums, cnts)
    return out[0, 0]

# --- scband reference (transcript-rebuilt; emitter-appended) ---
"""Pipeline reference for scband-edge-var-54735063220420 (READ-ONLY COPY).

The authoritative reference and input builder live on the scoring server;
editing this copy changes nothing except your own understanding.
"""

import jax, jax.numpy as jnp
import numpy as np

NUM_GRAPHS = 1024

def setup_inputs(seed: int = 0) -> dict:
    key = jax.random.key(seed)
    k1, k2, k3 = jax.random.split(key, 3)
    node_pos = jax.random.normal(k1, (100000, 3), dtype=jnp.float32)
    raw_edge_index = jax.random.randint(k2, (2, 6400000), 0, 100000, dtype=jnp.int64)
    batch = jnp.sort(jax.random.randint(k3, (100000,), 0, NUM_GRAPHS, dtype=jnp.int64))
    return {"node_pos": node_pos, "raw_edge_index": raw_edge_index, "batch": batch}

def reference(node_pos, raw_edge_index, batch):
    # edges = node_pos[raw_edge_index.T] -> [E, 2, 3]; start = edges[:,0], end = edges[:,1]
    start = jnp.take(node_pos, raw_edge_index[0], axis=0)
    end = jnp.take(node_pos, raw_edge_index[1], axis=0)
    eu = jnp.linalg.norm(end - start, axis=1)
    edge_var = jnp.square(eu - 1.0)
    index = jnp.take(batch, raw_edge_index[0], axis=0)
    # torch_scatter.scatter(..., reduce='mean'): sum / clamped count per segment
    sums = jax.ops.segment_sum(edge_var, index, num_segments=NUM_GRAPHS)
    counts = jax.ops.segment_sum(jnp.ones_like(edge_var), index, num_segments=NUM_GRAPHS)
    graph_var = sums / jnp.maximum(counts, 1.0)
    # self.reduce defaults to torch.mean over the per-graph vector
    return jnp.mean(graph_var)

if __name__ == "__main__":
    import jax
    _d = setup_inputs()
    print(jax.jit(kernel)(*tuple(_d.values())))

</pallas_src>

<mosaic_0001>
#map = affine_map<(d0, d1) -> (0, 0)>
module attributes {stable_mosaic.version = 14 : i64} {
  func.func @_sc_body(%arg0: i32, %arg1: i32, %arg2: memref<100000x8xf32, #tpu.memory_space<hbm>>, %arg3: memref<80000x80xi32, #tpu.memory_space<hbm>>, %arg4: memref<80000x80xi32, #tpu.memory_space<hbm>>, %arg5: memref<32x1024xf32, #tpu.memory_space<hbm>>, %arg6: memref<32x1024xf32, #tpu.memory_space<hbm>>, %arg7: memref<50x80xi32, #tpu.memory_space<vmem>>, %arg8: memref<50x80xi32, #tpu.memory_space<vmem>>, %arg9: memref<400x8xf32, #tpu.memory_space<vmem>>, %arg10: memref<400x8xf32, #tpu.memory_space<vmem>>, %arg11: memref<16384xf32, #tpu.memory_space<vmem>>, %arg12: memref<16384xf32, #tpu.memory_space<vmem>>, %arg13: memref<1024xf32, #tpu.memory_space<vmem>>, %arg14: memref<5x!tpu.dma_semaphore, #tpu.memory_space<semaphore_mem>>, %arg15: memref<5x!tpu.dma_semaphore, #tpu.memory_space<semaphore_mem>>) attributes {dimension_semantics = [#tpu.dimension_semantics<core_parallel>, #tpu.dimension_semantics<subcore_parallel>], iteration_bounds = array<i64: 2, 16>, scalar_prefetch = 0 : i64, scratch_operands = 9 : i64, tpu.core_type = #tpu.core_type<sc_vector_subcore>, window_params = [{transform_indices = #map}, {transform_indices = #map}, {transform_indices = #map}, {transform_indices = #map}, {transform_indices = #map}]} {
    %mul3A = arith.constant 2 : i32
    %mul3A_0 = arith.muli %arg1, %mul3A : i32
    %add3A = arith.addi %mul3A_0, %arg0 : i32
    %iota3A = tpu.iota {dimensions = array<i32: 0>} : vector<16xi32>
    %broadcast_in_dim3A = arith.constant 0.000000e+00 : f32
    %broadcast_in_dim3A_1 = vector.broadcast %broadcast_in_dim3A : f32 to vector<16xf32>
    %broadcast_in_dim3A_2 = arith.constant 1.000000e+00 : f32
    %broadcast_in_dim3A_3 = vector.broadcast %broadcast_in_dim3A_2 : f32 to vector<16xf32>
    %broadcast_in_dim3A_4 = arith.constant 0 : i32
    %broadcast_in_dim3A_5 = vector.broadcast %broadcast_in_dim3A_4 : i32 to vector<16xi32>
    %add3A_6 = arith.constant 1 : i32
    %add3A_7 = vector.broadcast %add3A_6 : i32 to vector<16xi32>
    %add3A_8 = arith.addi %broadcast_in_dim3A_5, %add3A_7 : vector<16xi32>
    %add3A_9 = arith.constant 2 : i32
    %add3A_10 = vector.broadcast %add3A_9 : i32 to vector<16xi32>
    %add3A_11 = arith.addi %broadcast_in_dim3A_5, %add3A_10 : vector<16xi32>
    %add3A_12 = arith.constant 3 : i32
    %add3A_13 = vector.broadcast %add3A_12 : i32 to vector<16xi32>
    %add3A_14 = arith.addi %broadcast_in_dim3A_5, %add3A_13 : vector<16xi32>
    %scan3A = arith.constant 0 : i32
    %scan3A_15 = arith.constant 1024 : i32
    %scan3A_16 = arith.addi %scan3A, %scan3A_15 : i32
    %scan3A_17 = arith.constant 1 : i32
    scf.for %scan3A_34 = %scan3A to %scan3A_16 step %scan3A_17  : i32 {
      %mul3A_35 = arith.constant 16 : i32
      %mul3A_36 = arith.muli %scan3A_34, %mul3A_35 : i32
      %swap3A = arith.index_cast %mul3A_36 : i32 to index
      %swap3A_37 = tpu.vector_load %arg11[%swap3A] {strides = array<i32>} : memref<16384xf32, #tpu.memory_space<vmem>>, vector<16xf32>,
      tpu.vector_store %arg11[%swap3A], %broadcast_in_dim3A_1 {strides = array<i32>} : memref<16384xf32, #tpu.memory_space<vmem>>, vector<16xf32>,
      %mul3A_38 = arith.constant 16 : i32
      %mul3A_39 = arith.muli %scan3A_34, %mul3A_38 : i32
      %swap3A_40 = arith.index_cast %mul3A_39 : i32 to index
      %swap3A_41 = tpu.vector_load %arg12[%swap3A_40] {strides = array<i32>} : memref<16384xf32, #tpu.memory_space<vmem>>, vector<16xf32>,
      tpu.vector_store %arg12[%swap3A_40], %broadcast_in_dim3A_1 {strides = array<i32>} : memref<16384xf32, #tpu.memory_space<vmem>>, vector<16xf32>,
    }
    %scan3A_18 = arith.constant 1024 : i32
    %scan3A_19 = arith.constant 0 : i32
    %scan3A_20 = arith.constant 50 : i32
    %scan3A_21 = arith.addi %scan3A_19, %scan3A_20 : i32
    %scan3A_22 = arith.constant 1 : i32
    scf.for %scan3A_34 = %scan3A_19 to %scan3A_21 step %scan3A_22  : i32 {
      %mul3A_35 = arith.constant 50 : i32
      %mul3A_36 = arith.muli %add3A, %mul3A_35 : i32
      %add3A_37 = arith.addi %mul3A_36, %scan3A_34 : i32
      %mul3A_38 = arith.constant 50 : i32
      %mul3A_39 = arith.muli %add3A_37, %mul3A_38 : i32
      "tpu.region"() ({
        %run_scoped3A = tpu.sem_alloc : memref<!tpu.dma_semaphore, #tpu.memory_space<semaphore_mem>>
        %dma_start3A_174 = arith.constant 0 : i32
        %dma_start3A_175 = tpu.memref_slice %arg3[%mul3A_39, %dma_start3A_174] : memref<80000x80xi32, #tpu.memory_space<hbm>> -> memref<50x80xi32, #tpu.memory_space<hbm>>
        %dma_start3A_176 = arith.constant 0 : i32
        %dma_start3A_177 = tpu.memref_slice %arg3[%mul3A_39, %dma_start3A_176] : memref<80000x80xi32, #tpu.memory_space<hbm>> -> memref<50x80xi32, #tpu.memory_space<hbm>>
        tpu.enqueue_dma source(%dma_start3A_177 : memref<50x80xi32, #tpu.memory_space<hbm>>) target(%arg7 : memref<50x80xi32, #tpu.memory_space<vmem>>) target_semaphore(%run_scoped3A : memref<!tpu.dma_semaphore, #tpu.memory_space<semaphore_mem>>)
        %dma_wait3A = arith.constant 0 : i32
        %dma_wait3A_178 = tpu.memref_slice %arg3[%mul3A_39, %dma_wait3A] : memref<80000x80xi32, #tpu.memory_space<hbm>> -> memref<50x80xi32, #tpu.memory_space<hbm>>
        %dma_wait3A_179 = arith.constant 0 : i32
        %dma_wait3A_180 = tpu.memref_slice %arg3[%mul3A_39, %dma_wait3A_179] : memref<80000x80xi32, #tpu.memory_space<hbm>> -> memref<50x80xi32, #tpu.memory_space<hbm>>
        tpu.wait_dma2 semaphore(%run_scoped3A : memref<!tpu.dma_semaphore, #tpu.memory_space<semaphore_mem>>) src(%dma_wait3A_180 : memref<50x80xi32, #tpu.memory_space<hbm>>) dst(%arg7 : memref<50x80xi32, #tpu.memory_space<vmem>>)
        tpu.yield
      }) : () -> ()
      "tpu.region"() ({
        %run_scoped3A = tpu.sem_alloc : memref<!tpu.dma_semaphore, #tpu.memory_space<semaphore_mem>>
        %dma_start3A_174 = arith.constant 0 : i32
        %dma_start3A_175 = tpu.memref_slice %arg4[%mul3A_39, %dma_start3A_174] : memref<80000x80xi32, #tpu.memory_space<hbm>> -> memref<50x80xi32, #tpu.memory_space<hbm>>
        %dma_start3A_176 = arith.constant 0 : i32
        %dma_start3A_177 = tpu.memref_slice %arg4[%mul3A_39, %dma_start3A_176] : memref<80000x80xi32, #tpu.memory_space<hbm>> -> memref<50x80xi32, #tpu.memory_space<hbm>>
        tpu.enqueue_dma source(%dma_start3A_177 : memref<50x80xi32, #tpu.memory_space<hbm>>) target(%arg8 : memref<50x80xi32, #tpu.memory_space<vmem>>) target_semaphore(%run_scoped3A : memref<!tpu.dma_semaphore, #tpu.memory_space<semaphore_mem>>)
        %dma_wait3A = arith.constant 0 : i32
        %dma_wait3A_178 = tpu.memref_slice %arg4[%mul3A_39, %dma_wait3A] : memref<80000x80xi32, #tpu.memory_space<hbm>> -> memref<50x80xi32, #tpu.memory_space<hbm>>
        %dma_wait3A_179 = arith.constant 0 : i32
        %dma_wait3A_180 = tpu.memref_slice %arg4[%mul3A_39, %dma_wait3A_179] : memref<80000x80xi32, #tpu.memory_space<hbm>> -> memref<50x80xi32, #tpu.memory_space<hbm>>
        tpu.wait_dma2 semaphore(%run_scoped3A : memref<!tpu.dma_semaphore, #tpu.memory_space<semaphore_mem>>) src(%dma_wait3A_180 : memref<50x80xi32, #tpu.memory_space<hbm>>) dst(%arg8 : memref<50x80xi32, #tpu.memory_space<vmem>>)
        tpu.yield
      }) : () -> ()
      %dma_start3A = arith.constant 0 : i32
      %dma_start3A_40 = arith.constant 0 : i32
      %dma_start3A_41 = arith.constant 0 : i32
      %dma_start3A_42 = arith.constant 0 : i32
      %dma_start3A_43 = tpu.memref_slice %arg9[%dma_start3A_41, %dma_start3A_42] : memref<400x8xf32, #tpu.memory_space<vmem>> -> memref<80x8xf32, #tpu.memory_space<vmem>>
      %dma_start3A_44 = arith.constant 0 : i32
      %dma_start3A_45 = tpu.memref_slice %arg7[%dma_start3A, %dma_start3A_44] : memref<50x80xi32, #tpu.memory_space<vmem>> -> memref<1x80xi32, #tpu.memory_space<vmem>>
      %dma_start3A_46 = tpu.memref_squeeze %dma_start3A_45 : memref<1x80xi32, #tpu.memory_space<vmem>> -> memref<80xi32, #tpu.memory_space<vmem>>
      %dma_start3A_47 = arith.constant 0 : i32
      %dma_start3A_48 = arith.constant 0 : i32
      %dma_start3A_49 = tpu.memref_slice %arg2[%dma_start3A_47, %dma_start3A_48] : memref<100000x8xf32, #tpu.memory_space<hbm>> -> memref<100000x8xf32, #tpu.memory_space<hbm>>
      %dma_start3A_50 = tpu.memref_slice %arg14[%dma_start3A_40] : memref<5x!tpu.dma_semaphore, #tpu.memory_space<semaphore_mem>> -> memref<1x!tpu.dma_semaphore, #tpu.memory_space<semaphore_mem>>
      %dma_start3A_51 = tpu.memref_squeeze %dma_start3A_50 : memref<1x!tpu.dma_semaphore, #tpu.memory_space<semaphore_mem>> -> memref<!tpu.dma_semaphore, #tpu.memory_space<semaphore_mem>>
      tpu.enqueue_indirect_dma source(%dma_start3A_49 : memref<100000x8xf32, #tpu.memory_space<hbm>>) target(%dma_start3A_43 : memref<80x8xf32, #tpu.memory_space<vmem>>) offsets(%dma_start3A_46 : memref<80xi32, #tpu.memory_space<vmem>>) semaphore(%dma_start3A_51 : memref<!tpu.dma_semaphore, #tpu.memory_space<semaphore_mem>>)
      %dma_start3A_52 = arith.constant 0 : i32
      %dma_start3A_53 = arith.constant 0 : i32
      %dma_start3A_54 = arith.constant 0 : i32
      %dma_start3A_55 = arith.constant 0 : i32
      %dma_start3A_56 = tpu.memref_slice %arg10[%dma_start3A_54, %dma_start3A_55] : memref<400x8xf32, #tpu.memory_space<vmem>> -> memref<80x8xf32, #tpu.memory_space<vmem>>
      %dma_start3A_57 = arith.constant 0 : i32
      %dma_start3A_58 = tpu.memref_slice %arg8[%dma_start3A_52, %dma_start3A_57] : memref<50x80xi32, #tpu.memory_space<vmem>> -> memref<1x80xi32, #tpu.memory_space<vmem>>
      %dma_start3A_59 = tpu.memref_squeeze %dma_start3A_58 : memref<1x80xi32, #tpu.memory_space<vmem>> -> memref<80xi32, #tpu.memory_space<vmem>>
      %dma_start3A_60 = arith.constant 0 : i32
      %dma_start3A_61 = arith.constant 0 : i32
      %dma_start3A_62 = tpu.memref_slice %arg2[%dma_start3A_60, %dma_start3A_61] : memref<100000x8xf32, #tpu.memory_space<hbm>> -> memref<100000x8xf32, #tpu.memory_space<hbm>>
      %dma_start3A_63 = tpu.memref_slice %arg15[%dma_start3A_53] : memref<5x!tpu.dma_semaphore, #tpu.memory_space<semaphore_mem>> -> memref<1x!tpu.dma_semaphore, #tpu.memory_space<semaphore_mem>>
      %dma_start3A_64 = tpu.memref_squeeze %dma_start3A_63 : memref<1x!tpu.dma_semaphore, #tpu.memory_space<semaphore_mem>> -> memref<!tpu.dma_semaphore, #tpu.memory_space<semaphore_mem>>
      tpu.enqueue_indirect_dma source(%dma_start3A_62 : memref<100000x8xf32, #tpu.memory_space<hbm>>) target(%dma_start3A_56 : memref<80x8xf32, #tpu.memory_space<vmem>>) offsets(%dma_start3A_59 : memref<80xi32, #tpu.memory_space<vmem>>) semaphore(%dma_start3A_64 : memref<!tpu.dma_semaphore, #tpu.memory_space<semaphore_mem>>)
      %dma_start3A_65 = arith.constant 1 : i32
      %dma_start3A_66 = arith.constant 1 : i32
      %dma_start3A_67 = arith.constant 80 : i32
      %dma_start3A_68 = arith.constant 0 : i32
      %dma_start3A_69 = tpu.memref_slice %arg9[%dma_start3A_67, %dma_start3A_68] : memref<400x8xf32, #tpu.memory_space<vmem>> -> memref<80x8xf32, #tpu.memory_space<vmem>>
      %dma_start3A_70 = arith.constant 0 : i32
      %dma_start3A_71 = tpu.memref_slice %arg7[%dma_start3A_65, %dma_start3A_70] : memref<50x80xi32, #tpu.memory_space<vmem>> -> memref<1x80xi32, #tpu.memory_space<vmem>>
      %dma_start3A_72 = tpu.memref_squeeze %dma_start3A_71 : memref<1x80xi32, #tpu.memory_space<vmem>> -> memref<80xi32, #tpu.memory_space<vmem>>
      %dma_start3A_73 = arith.constant 0 : i32
      %dma_start3A_74 = arith.constant 0 : i32
      %dma_start3A_75 = tpu.memref_slice %arg2[%dma_start3A_73, %dma_start3A_74] : memref<100000x8xf32, #tpu.memory_space<hbm>> -> memref<100000x8xf32, #tpu.memory_space<hbm>>
      %dma_start3A_76 = tpu.memref_slice %arg14[%dma_start3A_66] : memref<5x!tpu.dma_semaphore, #tpu.memory_space<semaphore_mem>> -> memref<1x!tpu.dma_semaphore, #tpu.memory_space<semaphore_mem>>
      %dma_start3A_77 = tpu.memref_squeeze %dma_start3A_76 : memref<1x!tpu.dma_semaphore, #tpu.memory_space<semaphore_mem>> -> memref<!tpu.dma_semaphore, #tpu.memory_space<semaphore_mem>>
      tpu.enqueue_indirect_dma source(%dma_start3A_75 : memref<100000x8xf32, #tpu.memory_space<hbm>>) target(%dma_start3A_69 : memref<80x8xf32, #tpu.memory_space<vmem>>) offsets(%dma_start3A_72 : memref<80xi32, #tpu.memory_space<vmem>>) semaphore(%dma_start3A_77 : memref<!tpu.dma_semaphore, #tpu.memory_space<semaphore_mem>>)
      %dma_start3A_78 = arith.constant 1 : i32
      %dma_start3A_79 = arith.constant 1 : i32
      %dma_start3A_80 = arith.constant 80 : i32
      %dma_start3A_81 = arith.constant 0 : i32
      %dma_start3A_82 = tpu.memref_slice %arg10[%dma_start3A_80, %dma_start3A_81] : memref<400x8xf32, #tpu.memory_space<vmem>> -> memref<80x8xf32, #tpu.memory_space<vmem>>
      %dma_start3A_83 = arith.constant 0 : i32
      %dma_start3A_84 = tpu.memref_slice %arg8[%dma_start3A_78, %dma_start3A_83] : memref<50x80xi32, #tpu.memory_space<vmem>> -> memref<1x80xi32, #tpu.memory_space<vmem>>
      %dma_start3A_85 = tpu.memref_squeeze %dma_start3A_84 : memref<1x80xi32, #tpu.memory_space<vmem>> -> memref<80xi32, #tpu.memory_space<vmem>>
      %dma_start3A_86 = arith.constant 0 : i32
      %dma_start3A_87 = arith.constant 0 : i32
      %dma_start3A_88 = tpu.memref_slice %arg2[%dma_start3A_86, %dma_start3A_87] : memref<100000x8xf32, #tpu.memory_space<hbm>> -> memref<100000x8xf32, #tpu.memory_space<hbm>>
      %dma_start3A_89 = tpu.memref_slice %arg15[%dma_start3A_79] : memref<5x!tpu.dma_semaphore, #tpu.memory_space<semaphore_mem>> -> memref<1x!tpu.dma_semaphore, #tpu.memory_space<semaphore_mem>>
      %dma_start3A_90 = tpu.memref_squeeze %dma_start3A_89 : memref<1x!tpu.dma_semaphore, #tpu.memory_space<semaphore_mem>> -> memref<!tpu.dma_semaphore, #tpu.memory_space<semaphore_mem>>
      tpu.enqueue_indirect_dma source(%dma_start3A_88 : memref<100000x8xf32, #tpu.memory_space<hbm>>) target(%dma_start3A_82 : memref<80x8xf32, #tpu.memory_space<vmem>>) offsets(%dma_start3A_85 : memref<80xi32, #tpu.memory_space<vmem>>) semaphore(%dma_start3A_90 : memref<!tpu.dma_semaphore, #tpu.memory_space<semaphore_mem>>)
      %dma_start3A_91 = arith.constant 2 : i32
      %dma_start3A_92 = arith.constant 2 : i32
      %dma_start3A_93 = arith.constant 160 : i32
      %dma_start3A_94 = arith.constant 0 : i32
      %dma_start3A_95 = tpu.memref_slice %arg9[%dma_start3A_93, %dma_start3A_94] : memref<400x8xf32, #tpu.memory_space<vmem>> -> memref<80x8xf32, #tpu.memory_space<vmem>>
      %dma_start3A_96 = arith.constant 0 : i32
      %dma_start3A_97 = tpu.memref_slice %arg7[%dma_start3A_91, %dma_start3A_96] : memref<50x80xi32, #tpu.memory_space<vmem>> -> memref<1x80xi32, #tpu.memory_space<vmem>>
      %dma_start3A_98 = tpu.memref_squeeze %dma_start3A_97 : memref<1x80xi32, #tpu.memory_space<vmem>> -> memref<80xi32, #tpu.memory_space<vmem>>
      %dma_start3A_99 = arith.constant 0 : i32
      %dma_start3A_100 = arith.constant 0 : i32
      %dma_start3A_101 = tpu.memref_slice %arg2[%dma_start3A_99, %dma_start3A_100] : memref<100000x8xf32, #tpu.memory_space<hbm>> -> memref<100000x8xf32, #tpu.memory_space<hbm>>
      %dma_start3A_102 = tpu.memref_slice %arg14[%dma_start3A_92] : memref<5x!tpu.dma_semaphore, #tpu.memory_space<semaphore_mem>> -> memref<1x!tpu.dma_semaphore, #tpu.memory_space<semaphore_mem>>
      %dma_start3A_103 = tpu.memref_squeeze %dma_start3A_102 : memref<1x!tpu.dma_semaphore, #tpu.memory_space<semaphore_mem>> -> memref<!tpu.dma_semaphore, #tpu.memory_space<semaphore_mem>>
      tpu.enqueue_indirect_dma source(%dma_start3A_101 : memref<100000x8xf32, #tpu.memory_space<hbm>>) target(%dma_start3A_95 : memref<80x8xf32, #tpu.memory_space<vmem>>) offsets(%dma_start3A_98 : memref<80xi32, #tpu.memory_space<vmem>>) semaphore(%dma_start3A_103 : memref<!tpu.dma_semaphore, #tpu.memory_space<semaphore_mem>>)
      %dma_start3A_104 = arith.constant 2 : i32
      %dma_start3A_105 = arith.constant 2 : i32
      %dma_start3A_106 = arith.constant 160 : i32
      %dma_start3A_107 = arith.constant 0 : i32
      %dma_start3A_108 = tpu.memref_slice %arg10[%dma_start3A_106, %dma_start3A_107] : memref<400x8xf32, #tpu.memory_space<vmem>> -> memref<80x8xf32, #tpu.memory_space<vmem>>
      %dma_start3A_109 = arith.constant 0 : i32
      %dma_start3A_110 = tpu.memref_slice %arg8[%dma_start3A_104, %dma_start3A_109] : memref<50x80xi32, #tpu.memory_space<vmem>> -> memref<1x80xi32, #tpu.memory_space<vmem>>
      %dma_start3A_111 = tpu.memref_squeeze %dma_start3A_110 : memref<1x80xi32, #tpu.memory_space<vmem>> -> memref<80xi32, #tpu.memory_space<vmem>>
      %dma_start3A_112 = arith.constant 0 : i32
      %dma_start3A_113 = arith.constant 0 : i32
      %dma_start3A_114 = tpu.memref_slice %arg2[%dma_start3A_112, %dma_start3A_113] : memref<100000x8xf32, #tpu.memory_space<hbm>> -> memref<100000x8xf32, #tpu.memory_space<hbm>>
      %dma_start3A_115 = tpu.memref_slice %arg15[%dma_start3A_105] : memref<5x!tpu.dma_semaphore, #tpu.memory_space<semaphore_mem>> -> memref<1x!tpu.dma_semaphore, #tpu.memory_space<semaphore_mem>>
      %dma_start3A_116 = tpu.memref_squeeze %dma_start3A_115 : memref<1x!tpu.dma_semaphore, #tpu.memory_space<semaphore_mem>> -> memref<!tpu.dma_semaphore, #tpu.memory_space<semaphore_mem>>
      tpu.enqueue_indirect_dma source(%dma_start3A_114 : memref<100000x8xf32, #tpu.memory_space<hbm>>) target(%dma_start3A_108 : memref<80x8xf32, #tpu.memory_space<vmem>>) offsets(%dma_start3A_111 : memref<80xi32, #tpu.memory_space<vmem>>) semaphore(%dma_start3A_116 : memref<!tpu.dma_semaphore, #tpu.memory_space<semaphore_mem>>)
      %dma_start3A_117 = arith.constant 3 : i32
      %dma_start3A_118 = arith.constant 3 : i32
      %dma_start3A_119 = arith.constant 240 : i32
      %dma_start3A_120 = arith.constant 0 : i32
      %dma_start3A_121 = tpu.memref_slice %arg9[%dma_start3A_119, %dma_start3A_120] : memref<400x8xf32, #tpu.memory_space<vmem>> -> memref<80x8xf32, #tpu.memory_space<vmem>>
      %dma_start3A_122 = arith.constant 0 : i32
      %dma_start3A_123 = tpu.memref_slice %arg7[%dma_start3A_117, %dma_start3A_122] : memref<50x80xi32, #tpu.memory_space<vmem>> -> memref<1x80xi32, #tpu.memory_space<vmem>>
      %dma_start3A_124 = tpu.memref_squeeze %dma_start3A_123 : memref<1x80xi32, #tpu.memory_space<vmem>> -> memref<80xi32, #tpu.memory_space<vmem>>
      %dma_start3A_125 = arith.constant 0 : i32
      %dma_start3A_126 = arith.constant 0 : i32
      %dma_start3A_127 = tpu.memref_slice %arg2[%dma_start3A_125, %dma_start3A_126] : memref<100000x8xf32, #tpu.memory_space<hbm>> -> memref<100000x8xf32, #tpu.memory_space<hbm>>
      %dma_start3A_128 = tpu.memref_slice %arg14[%dma_start3A_118] : memref<5x!tpu.dma_semaphore, #tpu.memory_space<semaphore_mem>> -> memref<1x!tpu.dma_semaphore, #tpu.memory_space<semaphore_mem>>
      %dma_start3A_129 = tpu.memref_squeeze %dma_start3A_128 : memref<1x!tpu.dma_semaphore, #tpu.memory_space<semaphore_mem>> -> memref<!tpu.dma_semaphore, #tpu.memory_space<semaphore_mem>>
      tpu.enqueue_indirect_dma source(%dma_start3A_127 : memref<100000x8xf32, #tpu.memory_space<hbm>>) target(%dma_start3A_121 : memref<80x8xf32, #tpu.memory_space<vmem>>) offsets(%dma_start3A_124 : memref<80xi32, #tpu.memory_space<vmem>>) semaphore(%dma_start3A_129 : memref<!tpu.dma_semaphore, #tpu.memory_space<semaphore_mem>>)
      %dma_start3A_130 = arith.constant 3 : i32
      %dma_start3A_131 = arith.constant 3 : i32
      %dma_start3A_132 = arith.constant 240 : i32
      %dma_start3A_133 = arith.constant 0 : i32
      %dma_start3A_134 = tpu.memref_slice %arg10[%dma_start3A_132, %dma_start3A_133] : memref<400x8xf32, #tpu.memory_space<vmem>> -> memref<80x8xf32, #tpu.memory_space<vmem>>
      %dma_start3A_135 = arith.constant 0 : i32
      %dma_start3A_136 = tpu.memref_slice %arg8[%dma_start3A_130, %dma_start3A_135] : memref<50x80xi32, #tpu.memory_space<vmem>> -> memref<1x80xi32, #tpu.memory_space<vmem>>
      %dma_start3A_137 = tpu.memref_squeeze %dma_start3A_136 : memref<1x80xi32, #tpu.memory_space<vmem>> -> memref<80xi32, #tpu.memory_space<vmem>>
      %dma_start3A_138 = arith.constant 0 : i32
      %dma_start3A_139 = arith.constant 0 : i32
      %dma_start3A_140 = tpu.memref_slice %arg2[%dma_start3A_138, %dma_start3A_139] : memref<100000x8xf32, #tpu.memory_space<hbm>> -> memref<100000x8xf32, #tpu.memory_space<hbm>>
      %dma_start3A_141 = tpu.memref_slice %arg15[%dma_start3A_131] : memref<5x!tpu.dma_semaphore, #tpu.memory_space<semaphore_mem>> -> memref<1x!tpu.dma_semaphore, #tpu.memory_space<semaphore_mem>>
      %dma_start3A_142 = tpu.memref_squeeze %dma_start3A_141 : memref<1x!tpu.dma_semaphore, #tpu.memory_space<semaphore_mem>> -> memref<!tpu.dma_semaphore, #tpu.memory_space<semaphore_mem>>
      tpu.enqueue_indirect_dma source(%dma_start3A_140 : memref<100000x8xf32, #tpu.memory_space<hbm>>) target(%dma_start3A_134 : memref<80x8xf32, #tpu.memory_space<vmem>>) offsets(%dma_start3A_137 : memref<80xi32, #tpu.memory_space<vmem>>) semaphore(%dma_start3A_142 : memref<!tpu.dma_semaphore, #tpu.memory_space<semaphore_mem>>)
      %dma_start3A_143 = arith.constant 4 : i32
      %dma_start3A_144 = arith.constant 4 : i32
      %dma_start3A_145 = arith.constant 320 : i32
      %dma_start3A_146 = arith.constant 0 : i32
      %dma_start3A_147 = tpu.memref_slice %arg9[%dma_start3A_145, %dma_start3A_146] : memref<400x8xf32, #tpu.memory_space<vmem>> -> memref<80x8xf32, #tpu.memory_space<vmem>>
      %dma_start3A_148 = arith.constant 0 : i32
      %dma_start3A_149 = tpu.memref_slice %arg7[%dma_start3A_143, %dma_start3A_148] : memref<50x80xi32, #tpu.memory_space<vmem>> -> memref<1x80xi32, #tpu.memory_space<vmem>>
      %dma_start3A_150 = tpu.memref_squeeze %dma_start3A_149 : memref<1x80xi32, #tpu.memory_space<vmem>> -> memref<80xi32, #tpu.memory_space<vmem>>
      %dma_start3A_151 = arith.constant 0 : i32
      %dma_start3A_152 = arith.constant 0 : i32
      %dma_start3A_153 = tpu.memref_slice %arg2[%dma_start3A_151, %dma_start3A_152] : memref<100000x8xf32, #tpu.memory_space<hbm>> -> memref<100000x8xf32, #tpu.memory_space<hbm>>
      %dma_start3A_154 = tpu.memref_slice %arg14[%dma_start3A_144] : memref<5x!tpu.dma_semaphore, #tpu.memory_space<semaphore_mem>> -> memref<1x!tpu.dma_semaphore, #tpu.memory_space<semaphore_mem>>
      %dma_start3A_155 = tpu.memref_squeeze %dma_start3A_154 : memref<1x!tpu.dma_semaphore, #tpu.memory_space<semaphore_mem>> -> memref<!tpu.dma_semaphore, #tpu.memory_space<semaphore_mem>>
      tpu.enqueue_indirect_dma source(%dma_start3A_153 : memref<100000x8xf32, #tpu.memory_space<hbm>>) target(%dma_start3A_147 : memref<80x8xf32, #tpu.memory_space<vmem>>) offsets(%dma_start3A_150 : memref<80xi32, #tpu.memory_space<vmem>>) semaphore(%dma_start3A_155 : memref<!tpu.dma_semaphore, #tpu.memory_space<semaphore_mem>>)
      %dma_start3A_156 = arith.constant 4 : i32
      %dma_start3A_157 = arith.constant 4 : i32
      %dma_start3A_158 = arith.constant 320 : i32
      %dma_start3A_159 = arith.constant 0 : i32
      %dma_start3A_160 = tpu.memref_slice %arg10[%dma_start3A_158, %dma_start3A_159] : memref<400x8xf32, #tpu.memory_space<vmem>> -> memref<80x8xf32, #tpu.memory_space<vmem>>
      %dma_start3A_161 = arith.constant 0 : i32
      %dma_start3A_162 = tpu.memref_slice %arg8[%dma_start3A_156, %dma_start3A_161] : memref<50x80xi32, #tpu.memory_space<vmem>> -> memref<1x80xi32, #tpu.memory_space<vmem>>
      %dma_start3A_163 = tpu.memref_squeeze %dma_start3A_162 : memref<1x80xi32, #tpu.memory_space<vmem>> -> memref<80xi32, #tpu.memory_space<vmem>>
      %dma_start3A_164 = arith.constant 0 : i32
      %dma_start3A_165 = arith.constant 0 : i32
      %dma_start3A_166 = tpu.memref_slice %arg2[%dma_start3A_164, %dma_start3A_165] : memref<100000x8xf32, #tpu.memory_space<hbm>> -> memref<100000x8xf32, #tpu.memory_space<hbm>>
      %dma_start3A_167 = tpu.memref_slice %arg15[%dma_start3A_157] : memref<5x!tpu.dma_semaphore, #tpu.memory_space<semaphore_mem>> -> memref<1x!tpu.dma_semaphore, #tpu.memory_space<semaphore_mem>>
      %dma_start3A_168 = tpu.memref_squeeze %dma_start3A_167 : memref<1x!tpu.dma_semaphore, #tpu.memory_space<semaphore_mem>> -> memref<!tpu.dma_semaphore, #tpu.memory_space<semaphore_mem>>
      tpu.enqueue_indirect_dma source(%dma_start3A_166 : memref<100000x8xf32, #tpu.memory_space<hbm>>) target(%dma_start3A_160 : memref<80x8xf32, #tpu.memory_space<vmem>>) offsets(%dma_start3A_163 : memref<80xi32, #tpu.memory_space<vmem>>) semaphore(%dma_start3A_168 : memref<!tpu.dma_semaphore, #tpu.memory_space<semaphore_mem>>)
      %scan3A_169 = arith.constant 0 : i32
      %scan3A_170 = arith.constant 10 : i32
      %scan3A_171 = arith.addi %scan3A_169, %scan3A_170 : i32
      %scan3A_172 = arith.constant 1 : i32
      scf.for %scan3A_174 = %scan3A_169 to %scan3A_171 step %scan3A_172  : i32 {
        %dma_wait3A = arith.constant 0 : i32
        %dma_wait3A_175 = arith.constant 0 : i32
        %dma_wait3A_176 = arith.constant 0 : i32
        %dma_wait3A_177 = tpu.memref_slice %arg9[%dma_wait3A_175, %dma_wait3A_176] : memref<400x8xf32, #tpu.memory_space<vmem>> -> memref<80x8xf32, #tpu.memory_space<vmem>>
        %dma_wait3A_178 = arith.constant 0 : i32
        %dma_wait3A_179 = arith.constant 0 : i32
        %dma_wait3A_180 = tpu.memref_slice %arg2[%dma_wait3A_178, %dma_wait3A_179] : memref<100000x8xf32, #tpu.memory_space<hbm>> -> memref<80x8xf32, #tpu.memory_space<hbm>>
        %dma_wait3A_181 = tpu.memref_slice %arg14[%dma_wait3A] : memref<5x!tpu.dma_semaphore, #tpu.memory_space<semaphore_mem>> -> memref<1x!tpu.dma_semaphore, #tpu.memory_space<semaphore_mem>>
        %dma_wait3A_182 = tpu.memref_squeeze %dma_wait3A_181 : memref<1x!tpu.dma_semaphore, #tpu.memory_space<semaphore_mem>> -> memref<!tpu.dma_semaphore, #tpu.memory_space<semaphore_mem>>
        %dma_wait3A_183 = arith.constant 0 : i32
        %dma_wait3A_184 = arith.constant 0 : i32
        %dma_wait3A_185 = tpu.memref_slice %arg9[%dma_wait3A_183, %dma_wait3A_184] : memref<400x8xf32, #tpu.memory_space<vmem>> -> memref<80x8xf32, #tpu.memory_space<vmem>>
        %dma_wait3A_186 = arith.constant 0 : i32
        %dma_wait3A_187 = arith.constant 0 : i32
        %dma_wait3A_188 = tpu.memref_slice %arg2[%dma_wait3A_186, %dma_wait3A_187] : memref<100000x8xf32, #tpu.memory_space<hbm>> -> memref<80x8xf32, #tpu.memory_space<hbm>>
        tpu.wait_dma2 semaphore(%dma_wait3A_182 : memref<!tpu.dma_semaphore, #tpu.memory_space<semaphore_mem>>) src(%dma_wait3A_188 : memref<80x8xf32, #tpu.memory_space<hbm>>) dst(%dma_wait3A_185 : memref<80x8xf32, #tpu.memory_space<vmem>>)
        %dma_wait3A_189 = arith.constant 0 : i32
        %dma_wait3A_190 = arith.constant 0 : i32
        %dma_wait3A_191 = arith.constant 0 : i32
        %dma_wait3A_192 = tpu.memref_slice %arg10[%dma_wait3A_190, %dma_wait3A_191] : memref<400x8xf32, #tpu.memory_space<vmem>> -> memref<80x8xf32, #tpu.memory_space<vmem>>
        %dma_wait3A_193 = arith.constant 0 : i32
        %dma_wait3A_194 = arith.constant 0 : i32
        %dma_wait3A_195 = tpu.memref_slice %arg2[%dma_wait3A_193, %dma_wait3A_194] : memref<100000x8xf32, #tpu.memory_space<hbm>> -> memref<80x8xf32, #tpu.memory_space<hbm>>
        %dma_wait3A_196 = tpu.memref_slice %arg15[%dma_wait3A_189] : memref<5x!tpu.dma_semaphore, #tpu.memory_space<semaphore_mem>> -> memref<1x!tpu.dma_semaphore, #tpu.memory_space<semaphore_mem>>
        %dma_wait3A_197 = tpu.memref_squeeze %dma_wait3A_196 : memref<1x!tpu.dma_semaphore, #tpu.memory_space<semaphore_mem>> -> memref<!tpu.dma_semaphore, #tpu.memory_space<semaphore_mem>>
        %dma_wait3A_198 = arith.constant 0 : i32
        %dma_wait3A_199 = arith.constant 0 : i32
        %dma_wait3A_200 = tpu.memref_slice %arg10[%dma_wait3A_198, %dma_wait3A_199] : memref<400x8xf32, #tpu.memory_space<vmem>> -> memref<80x8xf32, #tpu.memory_space<vmem>>
        %dma_wait3A_201 = arith.constant 0 : i32
        %dma_wait3A_202 = arith.constant 0 : i32
        %dma_wait3A_203 = tpu.memref_slice %arg2[%dma_wait3A_201, %dma_wait3A_202] : memref<100000x8xf32, #tpu.memory_space<hbm>> -> memref<80x8xf32, #tpu.memory_space<hbm>>
        tpu.wait_dma2 semaphore(%dma_wait3A_197 : memref<!tpu.dma_semaphore, #tpu.memory_space<semaphore_mem>>) src(%dma_wait3A_203 : memref<80x8xf32, #tpu.memory_space<hbm>>) dst(%dma_wait3A_200 : memref<80x8xf32, #tpu.memory_space<vmem>>)
        %scan3A_204 = arith.constant 0 : i32
        %scan3A_205 = arith.constant 5 : i32
        %scan3A_206 = arith.addi %scan3A_204, %scan3A_205 : i32
        %scan3A_207 = arith.constant 1 : i32
        scf.for %scan3A_371 = %scan3A_204 to %scan3A_206 step %scan3A_207  : i32 {
          %mul3A_372 = arith.constant 16 : i32
          %mul3A_373 = arith.muli %scan3A_371, %mul3A_372 : i32
          %add3A_374 = arith.constant 0 : i32
          %add3A_375 = arith.addi %add3A_374, %mul3A_373 : i32
          %add3A_376 = vector.broadcast %add3A_375 : i32 to vector<16xi32>
          %add3A_377 = arith.addi %add3A_376, %iota3A : vector<16xi32>
          %gather3A = tpu.vector_load_idx %arg9[%add3A_377, %broadcast_in_dim3A_5] : memref<400x8xf32, #tpu.memory_space<vmem>>[vector<16xi32>, vector<16xi32>], vector<16xf32>,
          %gather3A_378 = tpu.vector_load_idx %arg9[%add3A_377, %add3A_8] : memref<400x8xf32, #tpu.memory_space<vmem>>[vector<16xi32>, vector<16xi32>], vector<16xf32>,
          %gather3A_379 = tpu.vector_load_idx %arg9[%add3A_377, %add3A_11] : memref<400x8xf32, #tpu.memory_space<vmem>>[vector<16xi32>, vector<16xi32>], vector<16xf32>,
          %gather3A_380 = tpu.vector_load_idx %arg9[%add3A_377, %add3A_14] : memref<400x8xf32, #tpu.memory_space<vmem>>[vector<16xi32>, vector<16xi32>], vector<16xf32>,
          %gather3A_381 = tpu.vector_load_idx %arg10[%add3A_377, %broadcast_in_dim3A_5] : memref<400x8xf32, #tpu.memory_space<vmem>>[vector<16xi32>, vector<16xi32>], vector<16xf32>,
          %gather3A_382 = tpu.vector_load_idx %arg10[%add3A_377, %add3A_8] : memref<400x8xf32, #tpu.memory_space<vmem>>[vector<16xi32>, vector<16xi32>], vector<16xf32>,
          %gather3A_383 = tpu.vector_load_idx %arg10[%add3A_377, %add3A_11] : memref<400x8xf32, #tpu.memory_space<vmem>>[vector<16xi32>, vector<16xi32>], vector<16xf32>,
          %sub3A = arith.subf %gather3A, %gather3A_381 : vector<16xf32>
          %sub3A_384 = arith.subf %gather3A_378, %gather3A_382 : vector<16xf32>
          %sub3A_385 = arith.subf %gather3A_379, %gather3A_383 : vector<16xf32>
          %mul3A_386 = arith.mulf %sub3A, %sub3A : vector<16xf32>
          %mul3A_387 = arith.mulf %sub3A_384, %sub3A_384 : vector<16xf32>
          %add3A_388 = arith.addf %mul3A_386, %mul3A_387 : vector<16xf32>
          %mul3A_389 = arith.mulf %sub3A_385, %sub3A_385 : vector<16xf32>
          %add3A_390 = arith.addf %add3A_388, %mul3A_389 : vector<16xf32>
          %bitcast_convert_type3A = tpu.bitcast %add3A_390 : vector<16xf32> -> vector<16xi32>
          %shift_right_arithmetic3A = arith.constant 1 : i32
          %shift_right_arithmetic3A_391 = vector.broadcast %shift_right_arithmetic3A : i32 to vector<16xi32>
          %shift_right_arithmetic3A_392 = arith.shrsi %bitcast_convert_type3A, %shift_right_arithmetic3A_391 : vector<16xi32>
          %sub3A_393 = arith.constant 1597463007 : i32
          %sub3A_394 = vector.broadcast %sub3A_393 : i32 to vector<16xi32>
          %sub3A_395 = arith.subi %sub3A_394, %shift_right_arithmetic3A_392 : vector<16xi32>
          %bitcast_convert_type3A_396 = tpu.bitcast %sub3A_395 : vector<16xi32> -> vector<16xf32>
          %mul3A_397 = arith.constant 5.000000e-01 : f32
          %mul3A_398 = vector.broadcast %mul3A_397 : f32 to vector<16xf32>
          %mul3A_399 = arith.mulf %mul3A_398, %add3A_390 : vector<16xf32>
          %mul3A_400 = arith.mulf %mul3A_399, %bitcast_convert_type3A_396 : vector<16xf32>
          %mul3A_401 = arith.mulf %mul3A_400, %bitcast_convert_type3A_396 : vector<16xf32>
          %sub3A_402 = arith.constant 1.500000e+00 : f32
          %sub3A_403 = vector.broadcast %sub3A_402 : f32 to vector<16xf32>
          %sub3A_404 = arith.subf %sub3A_403, %mul3A_401 : vector<16xf32>
          %mul3A_405 = arith.mulf %bitcast_convert_type3A_396, %sub3A_404 : vector<16xf32>
          %mul3A_406 = arith.constant 5.000000e-01 : f32
          %mul3A_407 = vector.broadcast %mul3A_406 : f32 to vector<16xf32>
          %mul3A_408 = arith.mulf %mul3A_407, %add3A_390 : vector<16xf32>
          %mul3A_409 = arith.mulf %mul3A_408, %mul3A_405 : vector<16xf32>
          %mul3A_410 = arith.mulf %mul3A_409, %mul3A_405 : vector<16xf32>
          %sub3A_411 = arith.constant 1.500000e+00 : f32
          %sub3A_412 = vector.broadcast %sub3A_411 : f32 to vector<16xf32>
          %sub3A_413 = arith.subf %sub3A_412, %mul3A_410 : vector<16xf32>
          %mul3A_414 = arith.mulf %mul3A_405, %sub3A_413 : vector<16xf32>
          %mul3A_415 = arith.constant 5.000000e-01 : f32
          %mul3A_416 = vector.broadcast %mul3A_415 : f32 to vector<16xf32>
          %mul3A_417 = arith.mulf %mul3A_416, %add3A_390 : vector<16xf32>
          %mul3A_418 = arith.mulf %mul3A_417, %mul3A_414 : vector<16xf32>
          %mul3A_419 = arith.mulf %mul3A_418, %mul3A_414 : vector<16xf32>
          %sub3A_420 = arith.constant 1.500000e+00 : f32
          %sub3A_421 = vector.broadcast %sub3A_420 : f32 to vector<16xf32>
          %sub3A_422 = arith.subf %sub3A_421, %mul3A_419 : vector<16xf32>
          %mul3A_423 = arith.mulf %mul3A_414, %sub3A_422 : vector<16xf32>
          %gt3A = arith.constant 0.000000e+00 : f32
          %gt3A_424 = vector.broadcast %gt3A : f32 to vector<16xf32>
          %gt3A_425 = arith.cmpf ogt, %add3A_390, %gt3A_424 : vector<16xf32>
          %mul3A_426 = arith.mulf %add3A_390, %mul3A_423 : vector<16xf32>
          %jit3A = arith.constant 0.000000e+00 : f32
          %broadcast_in_dim3A_427 = vector.broadcast %jit3A : f32 to vector<16xf32>
          %select_n3A = arith.select %gt3A_425, %mul3A_426, %broadcast_in_dim3A_427 : vector<16xi1>, vector<16xf32>
          %sub3A_428 = arith.constant 1.000000e+00 : f32
          %sub3A_429 = vector.broadcast %sub3A_428 : f32 to vector<16xf32>
          %sub3A_430 = arith.subf %select_n3A, %sub3A_429 : vector<16xf32>
          %sub3A_431 = arith.constant 1.000000e+00 : f32
          %sub3A_432 = vector.broadcast %sub3A_431 : f32 to vector<16xf32>
          %sub3A_433 = arith.subf %select_n3A, %sub3A_432 : vector<16xf32>
          %mul3A_434 = arith.mulf %sub3A_430, %sub3A_433 : vector<16xf32>
          %mul3A_435 = arith.constant 1024 : i32
          %mul3A_436 = vector.broadcast %mul3A_435 : i32 to vector<16xi32>
          %mul3A_437 = arith.muli %iota3A, %mul3A_436 : vector<16xi32>
          %convert_element_type3A_438 = arith.fptosi %gather3A_380 : vector<16xf32> to vector<16xi32>
          %add3A_439 = arith.addi %mul3A_437, %convert_element_type3A_438 : vector<16xi32>
          tpu.vector_store_idx %arg11[%add3A_439], %mul3A_434 {add = true} : memref<16384xf32, #tpu.memory_space<vmem>>[vector<16xi32>], vector<16xf32>,
          tpu.vector_store_idx %arg12[%add3A_439], %broadcast_in_dim3A_3 {add = true} : memref<16384xf32, #tpu.memory_space<vmem>>[vector<16xi32>], vector<16xf32>,
        }
        %scan3A_208 = arith.constant 5 : i32
        %lt3A = arith.constant 9 : i32
        %lt3A_209 = arith.cmpi slt, %scan3A_174, %lt3A : i32
        %convert_element_type3A = arith.extui %lt3A_209 : i1 to i32
        %cond3A = arith.constant 0 : i32
        %cond3A_210 = arith.cmpi ne, %convert_element_type3A, %cond3A : i32
        scf.if %cond3A_210 {
          %add3A_371 = arith.constant 1 : i32
          %add3A_372 = arith.addi %scan3A_174, %add3A_371 : i32
          %mul3A_373 = arith.constant 5 : i32
          %mul3A_374 = arith.muli %add3A_372, %mul3A_373 : i32
          %add3A_375 = arith.constant 0 : i32
          %add3A_376 = arith.addi %mul3A_374, %add3A_375 : i32
          %dma_start3A_377 = arith.constant 0 : i32
          %dma_start3A_378 = arith.constant 0 : i32
          %dma_start3A_379 = arith.constant 0 : i32
          %dma_start3A_380 = tpu.memref_slice %arg9[%dma_start3A_378, %dma_start3A_379] : memref<400x8xf32, #tpu.memory_space<vmem>> -> memref<80x8xf32, #tpu.memory_space<vmem>>
          %dma_start3A_381 = arith.constant 0 : i32
          %dma_start3A_382 = tpu.memref_slice %arg7[%add3A_376, %dma_start3A_381] : memref<50x80xi32, #tpu.memory_space<vmem>> -> memref<1x80xi32, #tpu.memory_space<vmem>>
          %dma_start3A_383 = tpu.memref_squeeze %dma_start3A_382 : memref<1x80xi32, #tpu.memory_space<vmem>> -> memref<80xi32, #tpu.memory_space<vmem>>
          %dma_start3A_384 = arith.constant 0 : i32
          %dma_start3A_385 = arith.constant 0 : i32
          %dma_start3A_386 = tpu.memref_slice %arg2[%dma_start3A_384, %dma_start3A_385] : memref<100000x8xf32, #tpu.memory_space<hbm>> -> memref<100000x8xf32, #tpu.memory_space<hbm>>
          %dma_start3A_387 = tpu.memref_slice %arg14[%dma_start3A_377] : memref<5x!tpu.dma_semaphore, #tpu.memory_space<semaphore_mem>> -> memref<1x!tpu.dma_semaphore, #tpu.memory_space<semaphore_mem>>
          %dma_start3A_388 = tpu.memref_squeeze %dma_start3A_387 : memref<1x!tpu.dma_semaphore, #tpu.memory_space<semaphore_mem>> -> memref<!tpu.dma_semaphore, #tpu.memory_space<semaphore_mem>>
          tpu.enqueue_indirect_dma source(%dma_start3A_386 : memref<100000x8xf32, #tpu.memory_space<hbm>>) target(%dma_start3A_380 : memref<80x8xf32, #tpu.memory_space<vmem>>) offsets(%dma_start3A_383 : memref<80xi32, #tpu.memory_space<vmem>>) semaphore(%dma_start3A_388 : memref<!tpu.dma_semaphore, #tpu.memory_space<semaphore_mem>>)
          %dma_start3A_389 = arith.constant 0 : i32
          %dma_start3A_390 = arith.constant 0 : i32
          %dma_start3A_391 = arith.constant 0 : i32
          %dma_start3A_392 = tpu.memref_slice %arg10[%dma_start3A_390, %dma_start3A_391] : memref<400x8xf32, #tpu.memory_space<vmem>> -> memref<80x8xf32, #tpu.memory_space<vmem>>
          %dma_start3A_393 = arith.constant 0 : i32
          %dma_start3A_394 = tpu.memref_slice %arg8[%add3A_376, %dma_start3A_393] : memref<50x80xi32, #tpu.memory_space<vmem>> -> memref<1x80xi32, #tpu.memory_space<vmem>>
          %dma_start3A_395 = tpu.memref_squeeze %dma_start3A_394 : memref<1x80xi32, #tpu.memory_space<vmem>> -> memref<80xi32, #tpu.memory_space<vmem>>
          %dma_start3A_396 = arith.constant 0 : i32
          %dma_start3A_397 = arith.constant 0 : i32
          %dma_start3A_398 = tpu.memref_slice %arg2[%dma_start3A_396, %dma_start3A_397] : memref<100000x8xf32, #tpu.memory_space<hbm>> -> memref<100000x8xf32, #tpu.memory_space<hbm>>
          %dma_start3A_399 = tpu.memref_slice %arg15[%dma_start3A_389] : memref<5x!tpu.dma_semaphore, #tpu.memory_space<semaphore_mem>> -> memref<1x!tpu.dma_semaphore, #tpu.memory_space<semaphore_mem>>
          %dma_start3A_400 = tpu.memref_squeeze %dma_start3A_399 : memref<1x!tpu.dma_semaphore, #tpu.memory_space<semaphore_mem>> -> memref<!tpu.dma_semaphore, #tpu.memory_space<semaphore_mem>>
          tpu.enqueue_indirect_dma source(%dma_start3A_398 : memref<100000x8xf32, #tpu.memory_space<hbm>>) target(%dma_start3A_392 : memref<80x8xf32, #tpu.memory_space<vmem>>) offsets(%dma_start3A_395 : memref<80xi32, #tpu.memory_space<vmem>>) semaphore(%dma_start3A_400 : memref<!tpu.dma_semaphore, #tpu.memory_space<semaphore_mem>>)
        } else {
        }
        %dma_wait3A_211 = arith.constant 1 : i32
        %dma_wait3A_212 = arith.constant 80 : i32
        %dma_wait3A_213 = arith.constant 0 : i32
        %dma_wait3A_214 = tpu.memref_slice %arg9[%dma_wait3A_212, %dma_wait3A_213] : memref<400x8xf32, #tpu.memory_space<vmem>> -> memref<80x8xf32, #tpu.memory_space<vmem>>
        %dma_wait3A_215 = arith.constant 0 : i32
        %dma_wait3A_216 = arith.constant 0 : i32
        %dma_wait3A_217 = tpu.memref_slice %arg2[%dma_wait3A_215, %dma_wait3A_216] : memref<100000x8xf32, #tpu.memory_space<hbm>> -> memref<80x8xf32, #tpu.memory_space<hbm>>
        %dma_wait3A_218 = tpu.memref_slice %arg14[%dma_wait3A_211] : memref<5x!tpu.dma_semaphore, #tpu.memory_space<semaphore_mem>> -> memref<1x!tpu.dma_semaphore, #tpu.memory_space<semaphore_mem>>
        %dma_wait3A_219 = tpu.memref_squeeze %dma_wait3A_218 : memref<1x!tpu.dma_semaphore, #tpu.memory_space<semaphore_mem>> -> memref<!tpu.dma_semaphore, #tpu.memory_space<semaphore_mem>>
        %dma_wait3A_220 = arith.constant 80 : i32
        %dma_wait3A_221 = arith.constant 0 : i32
        %dma_wait3A_222 = tpu.memref_slice %arg9[%dma_wait3A_220, %dma_wait3A_221] : memref<400x8xf32, #tpu.memory_space<vmem>> -> memref<80x8xf32, #tpu.memory_space<vmem>>
        %dma_wait3A_223 = arith.constant 0 : i32
        %dma_wait3A_224 = arith.constant 0 : i32
        %dma_wait3A_225 = tpu.memref_slice %arg2[%dma_wait3A_223, %dma_wait3A_224] : memref<100000x8xf32, #tpu.memory_space<hbm>> -> memref<80x8xf32, #tpu.memory_space<hbm>>
        tpu.wait_dma2 semaphore(%dma_wait3A_219 : memref<!tpu.dma_semaphore, #tpu.memory_space<semaphore_mem>>) src(%dma_wait3A_225 : memref<80x8xf32, #tpu.memory_space<hbm>>) dst(%dma_wait3A_222 : memref<80x8xf32, #tpu.memory_space<vmem>>)
        %dma_wait3A_226 = arith.constant 1 : i32
        %dma_wait3A_227 = arith.constant 80 : i32
        %dma_wait3A_228 = arith.constant 0 : i32
        %dma_wait3A_229 = tpu.memref_slice %arg10[%dma_wait3A_227, %dma_wait3A_228] : memref<400x8xf32, #tpu.memory_space<vmem>> -> memref<80x8xf32, #tpu.memory_space<vmem>>
        %dma_wait3A_230 = arith.constant 0 : i32
        %dma_wait3A_231 = arith.constant 0 : i32
        %dma_wait3A_232 = tpu.memref_slice %arg2[%dma_wait3A_230, %dma_wait3A_231] : memref<100000x8xf32, #tpu.memory_space<hbm>> -> memref<80x8xf32, #tpu.memory_space<hbm>>
        %dma_wait3A_233 = tpu.memref_slice %arg15[%dma_wait3A_226] : memref<5x!tpu.dma_semaphore, #tpu.memory_space<semaphore_mem>> -> memref<1x!tpu.dma_semaphore, #tpu.memory_space<semaphore_mem>>
        %dma_wait3A_234 = tpu.memref_squeeze %dma_wait3A_233 : memref<1x!tpu.dma_semaphore, #tpu.memory_space<semaphore_mem>> -> memref<!tpu.dma_semaphore, #tpu.memory_space<semaphore_mem>>
        %dma_wait3A_235 = arith.constant 80 : i32
        %dma_wait3A_236 = arith.constant 0 : i32
        %dma_wait3A_237 = tpu.memref_slice %arg10[%dma_wait3A_235, %dma_wait3A_236] : memref<400x8xf32, #tpu.memory_space<vmem>> -> memref<80x8xf32, #tpu.memory_space<vmem>>
        %dma_wait3A_238 = arith.constant 0 : i32
        %dma_wait3A_239 = arith.constant 0 : i32
        %dma_wait3A_240 = tpu.memref_slice %arg2[%dma_wait3A_238, %dma_wait3A_239] : memref<100000x8xf32, #tpu.memory_space<hbm>> -> memref<80x8xf32, #tpu.memory_space<hbm>>
        tpu.wait_dma2 semaphore(%dma_wait3A_234 : memref<!tpu.dma_semaphore, #tpu.memory_space<semaphore_mem>>) src(%dma_wait3A_240 : memref<80x8xf32, #tpu.memory_space<hbm>>) dst(%dma_wait3A_237 : memref<80x8xf32, #tpu.memory_space<vmem>>)
        %scan3A_241 = arith.constant 0 : i32
        %scan3A_242 = arith.constant 5 : i32
        %scan3A_243 = arith.addi %scan3A_241, %scan3A_242 : i32
        %scan3A_244 = arith.constant 1 : i32
        scf.for %scan3A_371 = %scan3A_241 to %scan3A_243 step %scan3A_244  : i32 {
          %mul3A_372 = arith.constant 16 : i32
          %mul3A_373 = arith.muli %scan3A_371, %mul3A_372 : i32
          %add3A_374 = arith.constant 80 : i32
          %add3A_375 = arith.addi %add3A_374, %mul3A_373 : i32
          %add3A_376 = vector.broadcast %add3A_375 : i32 to vector<16xi32>
          %add3A_377 = arith.addi %add3A_376, %iota3A : vector<16xi32>
          %gather3A = tpu.vector_load_idx %arg9[%add3A_377, %broadcast_in_dim3A_5] : memref<400x8xf32, #tpu.memory_space<vmem>>[vector<16xi32>, vector<16xi32>], vector<16xf32>,
          %gather3A_378 = tpu.vector_load_idx %arg9[%add3A_377, %add3A_8] : memref<400x8xf32, #tpu.memory_space<vmem>>[vector<16xi32>, vector<16xi32>], vector<16xf32>,
          %gather3A_379 = tpu.vector_load_idx %arg9[%add3A_377, %add3A_11] : memref<400x8xf32, #tpu.memory_space<vmem>>[vector<16xi32>, vector<16xi32>], vector<16xf32>,
          %gather3A_380 = tpu.vector_load_idx %arg9[%add3A_377, %add3A_14] : memref<400x8xf32, #tpu.memory_space<vmem>>[vector<16xi32>, vector<16xi32>], vector<16xf32>,
          %gather3A_381 = tpu.vector_load_idx %arg10[%add3A_377, %broadcast_in_dim3A_5] : memref<400x8xf32, #tpu.memory_space<vmem>>[vector<16xi32>, vector<16xi32>], vector<16xf32>,
          %gather3A_382 = tpu.vector_load_idx %arg10[%add3A_377, %add3A_8] : memref<400x8xf32, #tpu.memory_space<vmem>>[vector<16xi32>, vector<16xi32>], vector<16xf32>,
          %gather3A_383 = tpu.vector_load_idx %arg10[%add3A_377, %add3A_11] : memref<400x8xf32, #tpu.memory_space<vmem>>[vector<16xi32>, vector<16xi32>], vector<16xf32>,
          %sub3A = arith.subf %gather3A, %gather3A_381 : vector<16xf32>
          %sub3A_384 = arith.subf %gather3A_378, %gather3A_382 : vector<16xf32>
          %sub3A_385 = arith.subf %gather3A_379, %gather3A_383 : vector<16xf32>
          %mul3A_386 = arith.mulf %sub3A, %sub3A : vector<16xf32>
          %mul3A_387 = arith.mulf %sub3A_384, %sub3A_384 : vector<16xf32>
          %add3A_388 = arith.addf %mul3A_386, %mul3A_387 : vector<16xf32>
          %mul3A_389 = arith.mulf %sub3A_385, %sub3A_385 : vector<16xf32>
          %add3A_390 = arith.addf %add3A_388, %mul3A_389 : vector<16xf32>
          %bitcast_convert_type3A = tpu.bitcast %add3A_390 : vector<16xf32> -> vector<16xi32>
          %shift_right_arithmetic3A = arith.constant 1 : i32
          %shift_right_arithmetic3A_391 = vector.broadcast %shift_right_arithmetic3A : i32 to vector<16xi32>
          %shift_right_arithmetic3A_392 = arith.shrsi %bitcast_convert_type3A, %shift_right_arithmetic3A_391 : vector<16xi32>
          %sub3A_393 = arith.constant 1597463007 : i32
          %sub3A_394 = vector.broadcast %sub3A_393 : i32 to vector<16xi32>
          %sub3A_395 = arith.subi %sub3A_394, %shift_right_arithmetic3A_392 : vector<16xi32>
          %bitcast_convert_type3A_396 = tpu.bitcast %sub3A_395 : vector<16xi32> -> vector<16xf32>
          %mul3A_397 = arith.constant 5.000000e-01 : f32
          %mul3A_398 = vector.broadcast %mul3A_397 : f32 to vector<16xf32>
          %mul3A_399 = arith.mulf %mul3A_398, %add3A_390 : vector<16xf32>
          %mul3A_400 = arith.mulf %mul3A_399, %bitcast_convert_type3A_396 : vector<16xf32>
          %mul3A_401 = arith.mulf %mul3A_400, %bitcast_convert_type3A_396 : vector<16xf32>
          %sub3A_402 = arith.constant 1.500000e+00 : f32
          %sub3A_403 = vector.broadcast %sub3A_402 : f32 to vector<16xf32>
          %sub3A_404 = arith.subf %sub3A_403, %mul3A_401 : vector<16xf32>
          %mul3A_405 = arith.mulf %bitcast_convert_type3A_396, %sub3A_404 : vector<16xf32>
          %mul3A_406 = arith.constant 5.000000e-01 : f32
          %mul3A_407 = vector.broadcast %mul3A_406 : f32 to vector<16xf32>
          %mul3A_408 = arith.mulf %mul3A_407, %add3A_390 : vector<16xf32>
          %mul3A_409 = arith.mulf %mul3A_408, %mul3A_405 : vector<16xf32>
          %mul3A_410 = arith.mulf %mul3A_409, %mul3A_405 : vector<16xf32>
          %sub3A_411 = arith.constant 1.500000e+00 : f32
          %sub3A_412 = vector.broadcast %sub3A_411 : f32 to vector<16xf32>
          %sub3A_413 = arith.subf %sub3A_412, %mul3A_410 : vector<16xf32>
          %mul3A_414 = arith.mulf %mul3A_405, %sub3A_413 : vector<16xf32>
          %mul3A_415 = arith.constant 5.000000e-01 : f32
          %mul3A_416 = vector.broadcast %mul3A_415 : f32 to vector<16xf32>
          %mul3A_417 = arith.mulf %mul3A_416, %add3A_390 : vector<16xf32>
          %mul3A_418 = arith.mulf %mul3A_417, %mul3A_414 : vector<16xf32>
          %mul3A_419 = arith.mulf %mul3A_418, %mul3A_414 : vector<16xf32>
          %sub3A_420 = arith.constant 1.500000e+00 : f32
          %sub3A_421 = vector.broadcast %sub3A_420 : f32 to vector<16xf32>
          %sub3A_422 = arith.subf %sub3A_421, %mul3A_419 : vector<16xf32>
          %mul3A_423 = arith.mulf %mul3A_414, %sub3A_422 : vector<16xf32>
          %gt3A = arith.constant 0.000000e+00 : f32
          %gt3A_424 = vector.broadcast %gt3A : f32 to vector<16xf32>
          %gt3A_425 = arith.cmpf ogt, %add3A_390, %gt3A_424 : vector<16xf32>
          %mul3A_426 = arith.mulf %add3A_390, %mul3A_423 : vector<16xf32>
          %jit3A = arith.constant 0.000000e+00 : f32
          %broadcast_in_dim3A_427 = vector.broadcast %jit3A : f32 to vector<16xf32>
          %select_n3A = arith.select %gt3A_425, %mul3A_426, %broadcast_in_dim3A_427 : vector<16xi1>, vector<16xf32>
          %sub3A_428 = arith.constant 1.000000e+00 : f32
          %sub3A_429 = vector.broadcast %sub3A_428 : f32 to vector<16xf32>
          %sub3A_430 = arith.subf %select_n3A, %sub3A_429 : vector<16xf32>
          %sub3A_431 = arith.constant 1.000000e+00 : f32
          %sub3A_432 = vector.broadcast %sub3A_431 : f32 to vector<16xf32>
          %sub3A_433 = arith.subf %select_n3A, %sub3A_432 : vector<16xf32>
          %mul3A_434 = arith.mulf %sub3A_430, %sub3A_433 : vector<16xf32>
          %mul3A_435 = arith.constant 1024 : i32
          %mul3A_436 = vector.broadcast %mul3A_435 : i32 to vector<16xi32>
          %mul3A_437 = arith.muli %iota3A, %mul3A_436 : vector<16xi32>
          %convert_element_type3A_438 = arith.fptosi %gather3A_380 : vector<16xf32> to vector<16xi32>
          %add3A_439 = arith.addi %mul3A_437, %convert_element_type3A_438 : vector<16xi32>
          tpu.vector_store_idx %arg11[%add3A_439], %mul3A_434 {add = true} : memref<16384xf32, #tpu.memory_space<vmem>>[vector<16xi32>], vector<16xf32>,
          tpu.vector_store_idx %arg12[%add3A_439], %broadcast_in_dim3A_3 {add = true} : memref<16384xf32, #tpu.memory_space<vmem>>[vector<16xi32>], vector<16xf32>,
        }
        %scan3A_245 = arith.constant 5 : i32
        %lt3A_246 = arith.constant 9 : i32
        %lt3A_247 = arith.cmpi slt, %scan3A_174, %lt3A_246 : i32
        %convert_element_type3A_248 = arith.extui %lt3A_247 : i1 to i32
        %cond3A_249 = arith.constant 0 : i32
        %cond3A_250 = arith.cmpi ne, %convert_element_type3A_248, %cond3A_249 : i32
        scf.if %cond3A_250 {
          %add3A_371 = arith.constant 1 : i32
          %add3A_372 = arith.addi %scan3A_174, %add3A_371 : i32
          %mul3A_373 = arith.constant 5 : i32
          %mul3A_374 = arith.muli %add3A_372, %mul3A_373 : i32
          %add3A_375 = arith.constant 1 : i32
          %add3A_376 = arith.addi %mul3A_374, %add3A_375 : i32
          %dma_start3A_377 = arith.constant 1 : i32
          %dma_start3A_378 = arith.constant 80 : i32
          %dma_start3A_379 = arith.constant 0 : i32
          %dma_start3A_380 = tpu.memref_slice %arg9[%dma_start3A_378, %dma_start3A_379] : memref<400x8xf32, #tpu.memory_space<vmem>> -> memref<80x8xf32, #tpu.memory_space<vmem>>
          %dma_start3A_381 = arith.constant 0 : i32
          %dma_start3A_382 = tpu.memref_slice %arg7[%add3A_376, %dma_start3A_381] : memref<50x80xi32, #tpu.memory_space<vmem>> -> memref<1x80xi32, #tpu.memory_space<vmem>>
          %dma_start3A_383 = tpu.memref_squeeze %dma_start3A_382 : memref<1x80xi32, #tpu.memory_space<vmem>> -> memref<80xi32, #tpu.memory_space<vmem>>
          %dma_start3A_384 = arith.constant 0 : i32
          %dma_start3A_385 = arith.constant 0 : i32
          %dma_start3A_386 = tpu.memref_slice %arg2[%dma_start3A_384, %dma_start3A_385] : memref<100000x8xf32, #tpu.memory_space<hbm>> -> memref<100000x8xf32, #tpu.memory_space<hbm>>
          %dma_start3A_387 = tpu.memref_slice %arg14[%dma_start3A_377] : memref<5x!tpu.dma_semaphore, #tpu.memory_space<semaphore_mem>> -> memref<1x!tpu.dma_semaphore, #tpu.memory_space<semaphore_mem>>
          %dma_start3A_388 = tpu.memref_squeeze %dma_start3A_387 : memref<1x!tpu.dma_semaphore, #tpu.memory_space<semaphore_mem>> -> memref<!tpu.dma_semaphore, #tpu.memory_space<semaphore_mem>>
          tpu.enqueue_indirect_dma source(%dma_start3A_386 : memref<100000x8xf32, #tpu.memory_space<hbm>>) target(%dma_start3A_380 : memref<80x8xf32, #tpu.memory_space<vmem>>) offsets(%dma_start3A_383 : memref<80xi32, #tpu.memory_space<vmem>>) semaphore(%dma_start3A_388 : memref<!tpu.dma_semaphore, #tpu.memory_space<semaphore_mem>>)
          %dma_start3A_389 = arith.constant 1 : i32
          %dma_start3A_390 = arith.constant 80 : i32
          %dma_start3A_391 = arith.constant 0 : i32
          %dma_start3A_392 = tpu.memref_slice %arg10[%dma_start3A_390, %dma_start3A_391] : memref<400x8xf32, #tpu.memory_space<vmem>> -> memref<80x8xf32, #tpu.memory_space<vmem>>
          %dma_start3A_393 = arith.constant 0 : i32
          %dma_start3A_394 = tpu.memref_slice %arg8[%add3A_376, %dma_start3A_393] : memref<50x80xi32, #tpu.memory_space<vmem>> -> memref<1x80xi32, #tpu.memory_space<vmem>>
          %dma_start3A_395 = tpu.memref_squeeze %dma_start3A_394 : memref<1x80xi32, #tpu.memory_space<vmem>> -> memref<80xi32, #tpu.memory_space<vmem>>
          %dma_start3A_396 = arith.constant 0 : i32
          %dma_start3A_397 = arith.constant 0 : i32
          %dma_start3A_398 = tpu.memref_slice %arg2[%dma_start3A_396, %dma_start3A_397] : memref<100000x8xf32, #tpu.memory_space<hbm>> -> memref<100000x8xf32, #tpu.memory_space<hbm>>
          %dma_start3A_399 = tpu.memref_slice %arg15[%dma_start3A_389] : memref<5x!tpu.dma_semaphore, #tpu.memory_space<semaphore_mem>> -> memref<1x!tpu.dma_semaphore, #tpu.memory_space<semaphore_mem>>
          %dma_start3A_400 = tpu.memref_squeeze %dma_start3A_399 : memref<1x!tpu.dma_semaphore, #tpu.memory_space<semaphore_mem>> -> memref<!tpu.dma_semaphore, #tpu.memory_space<semaphore_mem>>
          tpu.enqueue_indirect_dma source(%dma_start3A_398 : memref<100000x8xf32, #tpu.memory_space<hbm>>) target(%dma_start3A_392 : memref<80x8xf32, #tpu.memory_space<vmem>>) offsets(%dma_start3A_395 : memref<80xi32, #tpu.memory_space<vmem>>) semaphore(%dma_start3A_400 : memref<!tpu.dma_semaphore, #tpu.memory_space<semaphore_mem>>)
        } else {
        }
        %dma_wait3A_251 = arith.constant 2 : i32
        %dma_wait3A_252 = arith.constant 160 : i32
        %dma_wait3A_253 = arith.constant 0 : i32
        %dma_wait3A_254 = tpu.memref_slice %arg9[%dma_wait3A_252, %dma_wait3A_253] : memref<400x8xf32, #tpu.memory_space<vmem>> -> memref<80x8xf32, #tpu.memory_space<vmem>>
        %dma_wait3A_255 = arith.constant 0 : i32
        %dma_wait3A_256 = arith.constant 0 : i32
        %dma_wait3A_257 = tpu.memref_slice %arg2[%dma_wait3A_255, %dma_wait3A_256] : memref<100000x8xf32, #tpu.memory_space<hbm>> -> memref<80x8xf32, #tpu.memory_space<hbm>>
        %dma_wait3A_258 = tpu.memref_slice %arg14[%dma_wait3A_251] : memref<5x!tpu.dma_semaphore, #tpu.memory_space<semaphore_mem>> -> memref<1x!tpu.dma_semaphore, #tpu.memory_space<semaphore_mem>>
        %dma_wait3A_259 = tpu.memref_squeeze %dma_wait3A_258 : memref<1x!tpu.dma_semaphore, #tpu.memory_space<semaphore_mem>> -> memref<!tpu.dma_semaphore, #tpu.memory_space<semaphore_mem>>
        %dma_wait3A_260 = arith.constant 160 : i32
        %dma_wait3A_261 = arith.constant 0 : i32
        %dma_wait3A_262 = tpu.memref_slice %arg9[%dma_wait3A_260, %dma_wait3A_261] : memref<400x8xf32, #tpu.memory_space<vmem>> -> memref<80x8xf32, #tpu.memory_space<vmem>>
        %dma_wait3A_263 = arith.constant 0 : i32
        %dma_wait3A_264 = arith.constant 0 : i32
        %dma_wait3A_265 = tpu.memref_slice %arg2[%dma_wait3A_263, %dma_wait3A_264] : memref<100000x8xf32, #tpu.memory_space<hbm>> -> memref<80x8xf32, #tpu.memory_space<hbm>>
        tpu.wait_dma2 semaphore(%dma_wait3A_259 : memref<!tpu.dma_semaphore, #tpu.memory_space<semaphore_mem>>) src(%dma_wait3A_265 : memref<80x8xf32, #tpu.memory_space<hbm>>) dst(%dma_wait3A_262 : memref<80x8xf32, #tpu.memory_space<vmem>>)
        %dma_wait3A_266 = arith.constant 2 : i32
        %dma_wait3A_267 = arith.constant 160 : i32
        %dma_wait3A_268 = arith.constant 0 : i32
        %dma_wait3A_269 = tpu.memref_slice %arg10[%dma_wait3A_267, %dma_wait3A_268] : memref<400x8xf32, #tpu.memory_space<vmem>> -> memref<80x8xf32, #tpu.memory_space<vmem>>
        %dma_wait3A_270 = arith.constant 0 : i32
        %dma_wait3A_271 = arith.constant 0 : i32
        %dma_wait3A_272 = tpu.memref_slice %arg2[%dma_wait3A_270, %dma_wait3A_271] : memref<100000x8xf32, #tpu.memory_space<hbm>> -> memref<80x8xf32, #tpu.memory_space<hbm>>
        %dma_wait3A_273 = tpu.memref_slice %arg15[%dma_wait3A_266] : memref<5x!tpu.dma_semaphore, #tpu.memory_space<semaphore_mem>> -> memref<1x!tpu.dma_semaphore, #tpu.memory_space<semaphore_mem>>
        %dma_wait3A_274 = tpu.memref_squeeze %dma_wait3A_273 : memref<1x!tpu.dma_semaphore, #tpu.memory_space<semaphore_mem>> -> memref<!tpu.dma_semaphore, #tpu.memory_space<semaphore_mem>>
        %dma_wait3A_275 = arith.constant 160 : i32
        %dma_wait3A_276 = arith.constant 0 : i32
        %dma_wait3A_277 = tpu.memref_slice %arg10[%dma_wait3A_275, %dma_wait3A_276] : memref<400x8xf32, #tpu.memory_space<vmem>> -> memref<80x8xf32, #tpu.memory_space<vmem>>
        %dma_wait3A_278 = arith.constant 0 : i32
        %dma_wait3A_279 = arith.constant 0 : i32
        %dma_wait3A_280 = tpu.memref_slice %arg2[%dma_wait3A_278, %dma_wait3A_279] : memref<100000x8xf32, #tpu.memory_space<hbm>> -> memref<80x8xf32, #tpu.memory_space<hbm>>
        tpu.wait_dma2 semaphore(%dma_wait3A_274 : memref<!tpu.dma_semaphore, #tpu.memory_space<semaphore_mem>>) src(%dma_wait3A_280 : memref<80x8xf32, #tpu.memory_space<hbm>>) dst(%dma_wait3A_277 : memref<80x8xf32, #tpu.memory_space<vmem>>)
        %scan3A_281 = arith.constant 0 : i32
        %scan3A_282 = arith.constant 5 : i32
        %scan3A_283 = arith.addi %scan3A_281, %scan3A_282 : i32
        %scan3A_284 = arith.constant 1 : i32
        scf.for %scan3A_371 = %scan3A_281 to %scan3A_283 step %scan3A_284  : i32 {
          %mul3A_372 = arith.constant 16 : i32
          %mul3A_373 = arith.muli %scan3A_371, %mul3A_372 : i32
          %add3A_374 = arith.constant 160 : i32
          %add3A_375 = arith.addi %add3A_374, %mul3A_373 : i32
          %add3A_376 = vector.broadcast %add3A_375 : i32 to vector<16xi32>
          %add3A_377 = arith.addi %add3A_376, %iota3A : vector<16xi32>
          %gather3A = tpu.vector_load_idx %arg9[%add3A_377, %broadcast_in_dim3A_5] : memref<400x8xf32, #tpu.memory_space<vmem>>[vector<16xi32>, vector<16xi32>], vector<16xf32>,
          %gather3A_378 = tpu.vector_load_idx %arg9[%add3A_377, %add3A_8] : memref<400x8xf32, #tpu.memory_space<vmem>>[vector<16xi32>, vector<16xi32>], vector<16xf32>,
          %gather3A_379 = tpu.vector_load_idx %arg9[%add3A_377, %add3A_11] : memref<400x8xf32, #tpu.memory_space<vmem>>[vector<16xi32>, vector<16xi32>], vector<16xf32>,
          %gather3A_380 = tpu.vector_load_idx %arg9[%add3A_377, %add3A_14] : memref<400x8xf32, #tpu.memory_space<vmem>>[vector<16xi32>, vector<16xi32>], vector<16xf32>,
          %gather3A_381 = tpu.vector_load_idx %arg10[%add3A_377, %broadcast_in_dim3A_5] : memref<400x8xf32, #tpu.memory_space<vmem>>[vector<16xi32>, vector<16xi32>], vector<16xf32>,
          %gather3A_382 = tpu.vector_load_idx %arg10[%add3A_377, %add3A_8] : memref<400x8xf32, #tpu.memory_space<vmem>>[vector<16xi32>, vector<16xi32>], vector<16xf32>,
          %gather3A_383 = tpu.vector_load_idx %arg10[%add3A_377, %add3A_11] : memref<400x8xf32, #tpu.memory_space<vmem>>[vector<16xi32>, vector<16xi32>], vector<16xf32>,
          %sub3A = arith.subf %gather3A, %gather3A_381 : vector<16xf32>
          %sub3A_384 = arith.subf %gather3A_378, %gather3A_382 : vector<16xf32>
          %sub3A_385 = arith.subf %gather3A_379, %gather3A_383 : vector<16xf32>
          %mul3A_386 = arith.mulf %sub3A, %sub3A : vector<16xf32>
          %mul3A_387 = arith.mulf %sub3A_384, %sub3A_384 : vector<16xf32>
          %add3A_388 = arith.addf %mul3A_386, %mul3A_387 : vector<16xf32>
          %mul3A_389 = arith.mulf %sub3A_385, %sub3A_385 : vector<16xf32>
          %add3A_390 = arith.addf %add3A_388, %mul3A_389 : vector<16xf32>
          %bitcast_convert_type3A = tpu.bitcast %add3A_390 : vector<16xf32> -> vector<16xi32>
          %shift_right_arithmetic3A = arith.constant 1 : i32
          %shift_right_arithmetic3A_391 = vector.broadcast %shift_right_arithmetic3A : i32 to vector<16xi32>
          %shift_right_arithmetic3A_392 = arith.shrsi %bitcast_convert_type3A, %shift_right_arithmetic3A_391 : vector<16xi32>
          %sub3A_393 = arith.constant 1597463007 : i32
          %sub3A_394 = vector.broadcast %sub3A_393 : i32 to vector<16xi32>
          %sub3A_395 = arith.subi %sub3A_394, %shift_right_arithmetic3A_392 : vector<16xi32>
          %bitcast_convert_type3A_396 = tpu.bitcast %sub3A_395 : vector<16xi32> -> vector<16xf32>
          %mul3A_397 = arith.constant 5.000000e-01 : f32
          %mul3A_398 = vector.broadcast %mul3A_397 : f32 to vector<16xf32>
          %mul3A_399 = arith.mulf %mul3A_398, %add3A_390 : vector<16xf32>
          %mul3A_400 = arith.mulf %mul3A_399, %bitcast_convert_type3A_396 : vector<16xf32>
          %mul3A_401 = arith.mulf %mul3A_400, %bitcast_convert_type3A_396 : vector<16xf32>
          %sub3A_402 = arith.constant 1.500000e+00 : f32
          %sub3A_403 = vector.broadcast %sub3A_402 : f32 to vector<16xf32>
          %sub3A_404 = arith.subf %sub3A_403, %mul3A_401 : vector<16xf32>
          %mul3A_405 = arith.mulf %bitcast_convert_type3A_396, %sub3A_404 : vector<16xf32>
          %mul3A_406 = arith.constant 5.000000e-01 : f32
          %mul3A_407 = vector.broadcast %mul3A_406 : f32 to vector<16xf32>
          %mul3A_408 = arith.mulf %mul3A_407, %add3A_390 : vector<16xf32>
          %mul3A_409 = arith.mulf %mul3A_408, %mul3A_405 : vector<16xf32>
          %mul3A_410 = arith.mulf %mul3A_409, %mul3A_405 : vector<16xf32>
          %sub3A_411 = arith.constant 1.500000e+00 : f32
          %sub3A_412 = vector.broadcast %sub3A_411 : f32 to vector<16xf32>
          %sub3A_413 = arith.subf %sub3A_412, %mul3A_410 : vector<16xf32>
          %mul3A_414 = arith.mulf %mul3A_405, %sub3A_413 : vector<16xf32>
          %mul3A_415 = arith.constant 5.000000e-01 : f32
          %mul3A_416 = vector.broadcast %mul3A_415 : f32 to vector<16xf32>
          %mul3A_417 = arith.mulf %mul3A_416, %add3A_390 : vector<16xf32>
          %mul3A_418 = arith.mulf %mul3A_417, %mul3A_414 : vector<16xf32>
          %mul3A_419 = arith.mulf %mul3A_418, %mul3A_414 : vector<16xf32>
          %sub3A_420 = arith.constant 1.500000e+00 : f32
          %sub3A_421 = vector.broadcast %sub3A_420 : f32 to vector<16xf32>
          %sub3A_422 = arith.subf %sub3A_421, %mul3A_419 : vector<16xf32>
          %mul3A_423 = arith.mulf %mul3A_414, %sub3A_422 : vector<16xf32>
          %gt3A = arith.constant 0.000000e+00 : f32
          %gt3A_424 = vector.broadcast %gt3A : f32 to vector<16xf32>
          %gt3A_425 = arith.cmpf ogt, %add3A_390, %gt3A_424 : vector<16xf32>
          %mul3A_426 = arith.mulf %add3A_390, %mul3A_423 : vector<16xf32>
          %jit3A = arith.constant 0.000000e+00 : f32
          %broadcast_in_dim3A_427 = vector.broadcast %jit3A : f32 to vector<16xf32>
          %select_n3A = arith.select %gt3A_425, %mul3A_426, %broadcast_in_dim3A_427 : vector<16xi1>, vector<16xf32>
          %sub3A_428 = arith.constant 1.000000e+00 : f32
          %sub3A_429 = vector.broadcast %sub3A_428 : f32 to vector<16xf32>
          %sub3A_430 = arith.subf %select_n3A, %sub3A_429 : vector<16xf32>
          %sub3A_431 = arith.constant 1.000000e+00 : f32
          %sub3A_432 = vector.broadcast %sub3A_431 : f32 to vector<16xf32>
          %sub3A_433 = arith.subf %select_n3A, %sub3A_432 : vector<16xf32>
          %mul3A_434 = arith.mulf %sub3A_430, %sub3A_433 : vector<16xf32>
          %mul3A_435 = arith.constant 1024 : i32
          %mul3A_436 = vector.broadcast %mul3A_435 : i32 to vector<16xi32>
          %mul3A_437 = arith.muli %iota3A, %mul3A_436 : vector<16xi32>
          %convert_element_type3A_438 = arith.fptosi %gather3A_380 : vector<16xf32> to vector<16xi32>
          %add3A_439 = arith.addi %mul3A_437, %convert_element_type3A_438 : vector<16xi32>
          tpu.vector_store_idx %arg11[%add3A_439], %mul3A_434 {add = true} : memref<16384xf32, #tpu.memory_space<vmem>>[vector<16xi32>], vector<16xf32>,
          tpu.vector_store_idx %arg12[%add3A_439], %broadcast_in_dim3A_3 {add = true} : memref<16384xf32, #tpu.memory_space<vmem>>[vector<16xi32>], vector<16xf32>,
        }
        %scan3A_285 = arith.constant 5 : i32
        %lt3A_286 = arith.constant 9 : i32
        %lt3A_287 = arith.cmpi slt, %scan3A_174, %lt3A_286 : i32
        %convert_element_type3A_288 = arith.extui %lt3A_287 : i1 to i32
        %cond3A_289 = arith.constant 0 : i32
        %cond3A_290 = arith.cmpi ne, %convert_element_type3A_288, %cond3A_289 : i32
        scf.if %cond3A_290 {
          %add3A_371 = arith.constant 1 : i32
          %add3A_372 = arith.addi %scan3A_174, %add3A_371 : i32
          %mul3A_373 = arith.constant 5 : i32
          %mul3A_374 = arith.muli %add3A_372, %mul3A_373 : i32
          %add3A_375 = arith.constant 2 : i32
          %add3A_376 = arith.addi %mul3A_374, %add3A_375 : i32
          %dma_start3A_377 = arith.constant 2 : i32
          %dma_start3A_378 = arith.constant 160 : i32
          %dma_start3A_379 = arith.constant 0 : i32
          %dma_start3A_380 = tpu.memref_slice %arg9[%dma_start3A_378, %dma_start3A_379] : memref<400x8xf32, #tpu.memory_space<vmem>> -> memref<80x8xf32, #tpu.memory_space<vmem>>
          %dma_start3A_381 = arith.constant 0 : i32
          %dma_start3A_382 = tpu.memref_slice %arg7[%add3A_376, %dma_start3A_381] : memref<50x80xi32, #tpu.memory_space<vmem>> -> memref<1x80xi32, #tpu.memory_space<vmem>>
          %dma_start3A_383 = tpu.memref_squeeze %dma_start3A_382 : memref<1x80xi32, #tpu.memory_space<vmem>> -> memref<80xi32, #tpu.memory_space<vmem>>
          %dma_start3A_384 = arith.constant 0 : i32
          %dma_start3A_385 = arith.constant 0 : i32
          %dma_start3A_386 = tpu.memref_slice %arg2[%dma_start3A_384, %dma_start3A_385] : memref<100000x8xf32, #tpu.memory_space<hbm>> -> memref<100000x8xf32, #tpu.memory_space<hbm>>
          %dma_start3A_387 = tpu.memref_slice %arg14[%dma_start3A_377] : memref<5x!tpu.dma_semaphore, #tpu.memory_space<semaphore_mem>> -> memref<1x!tpu.dma_semaphore, #tpu.memory_space<semaphore_mem>>
          %dma_start3A_388 = tpu.memref_squeeze %dma_start3A_387 : memref<1x!tpu.dma_semaphore, #tpu.memory_space<semaphore_mem>> -> memref<!tpu.dma_semaphore, #tpu.memory_space<semaphore_mem>>
          tpu.enqueue_indirect_dma source(%dma_start3A_386 : memref<100000x8xf32, #tpu.memory_space<hbm>>) target(%dma_start3A_380 : memref<80x8xf32, #tpu.memory_space<vmem>>) offsets(%dma_start3A_383 : memref<80xi32, #tpu.memory_space<vmem>>) semaphore(%dma_start3A_388 : memref<!tpu.dma_semaphore, #tpu.memory_space<semaphore_mem>>)
          %dma_start3A_389 = arith.constant 2 : i32
          %dma_start3A_390 = arith.constant 160 : i32
          %dma_start3A_391 = arith.constant 0 : i32
          %dma_start3A_392 = tpu.memref_slice %arg10[%dma_start3A_390, %dma_start3A_391] : memref<400x8xf32, #tpu.memory_space<vmem>> -> memref<80x8xf32, #tpu.memory_space<vmem>>
          %dma_start3A_393 = arith.constant 0 : i32
          %dma_start3A_394 = tpu.memref_slice %arg8[%add3A_376, %dma_start3A_393] : memref<50x80xi32, #tpu.memory_space<vmem>> -> memref<1x80xi32, #tpu.memory_space<vmem>>
          %dma_start3A_395 = tpu.memref_squeeze %dma_start3A_394 : memref<1x80xi32, #tpu.memory_space<vmem>> -> memref<80xi32, #tpu.memory_space<vmem>>
          %dma_start3A_396 = arith.constant 0 : i32
          %dma_start3A_397 = arith.constant 0 : i32
          %dma_start3A_398 = tpu.memref_slice %arg2[%dma_start3A_396, %dma_start3A_397] : memref<100000x8xf32, #tpu.memory_space<hbm>> -> memref<100000x8xf32, #tpu.memory_space<hbm>>
          %dma_start3A_399 = tpu.memref_slice %arg15[%dma_start3A_389] : memref<5x!tpu.dma_semaphore, #tpu.memory_space<semaphore_mem>> -> memref<1x!tpu.dma_semaphore, #tpu.memory_space<semaphore_mem>>
          %dma_start3A_400 = tpu.memref_squeeze %dma_start3A_399 : memref<1x!tpu.dma_semaphore, #tpu.memory_space<semaphore_mem>> -> memref<!tpu.dma_semaphore, #tpu.memory_space<semaphore_mem>>
          tpu.enqueue_indirect_dma source(%dma_start3A_398 : memref<100000x8xf32, #tpu.memory_space<hbm>>) target(%dma_start3A_392 : memref<80x8xf32, #tpu.memory_space<vmem>>) offsets(%dma_start3A_395 : memref<80xi32, #tpu.memory_space<vmem>>) semaphore(%dma_start3A_400 : memref<!tpu.dma_semaphore, #tpu.memory_space<semaphore_mem>>)
        } else {
        }
        %dma_wait3A_291 = arith.constant 3 : i32
        %dma_wait3A_292 = arith.constant 240 : i32
        %dma_wait3A_293 = arith.constant 0 : i32
        %dma_wait3A_294 = tpu.memref_slice %arg9[%dma_wait3A_292, %dma_wait3A_293] : memref<400x8xf32, #tpu.memory_space<vmem>> -> memref<80x8xf32, #tpu.memory_space<vmem>>
        %dma_wait3A_295 = arith.constant 0 : i32
        %dma_wait3A_296 = arith.constant 0 : i32
        %dma_wait3A_297 = tpu.memref_slice %arg2[%dma_wait3A_295, %dma_wait3A_296] : memref<100000x8xf32, #tpu.memory_space<hbm>> -> memref<80x8xf32, #tpu.memory_space<hbm>>
        %dma_wait3A_298 = tpu.memref_slice %arg14[%dma_wait3A_291] : memref<5x!tpu.dma_semaphore, #tpu.memory_space<semaphore_mem>> -> memref<1x!tpu.dma_semaphore, #tpu.memory_space<semaphore_mem>>
        %dma_wait3A_299 = tpu.memref_squeeze %dma_wait3A_298 : memref<1x!tpu.dma_semaphore, #tpu.memory_space<semaphore_mem>> -> memref<!tpu.dma_semaphore, #tpu.memory_space<semaphore_mem>>
        %dma_wait3A_300 = arith.constant 240 : i32
        %dma_wait3A_301 = arith.constant 0 : i32
        %dma_wait3A_302 = tpu.memref_slice %arg9[%dma_wait3A_300, %dma_wait3A_301] : memref<400x8xf32, #tpu.memory_space<vmem>> -> memref<80x8xf32, #tpu.memory_space<vmem>>
        %dma_wait3A_303 = arith.constant 0 : i32
        %dma_wait3A_304 = arith.constant 0 : i32
        %dma_wait3A_305 = tpu.memref_slice %arg2[%dma_wait3A_303, %dma_wait3A_304] : memref<100000x8xf32, #tpu.memory_space<hbm>> -> memref<80x8xf32, #tpu.memory_space<hbm>>
        tpu.wait_dma2 semaphore(%dma_wait3A_299 : memref<!tpu.dma_semaphore, #tpu.memory_space<semaphore_mem>>) src(%dma_wait3A_305 : memref<80x8xf32, #tpu.memory_space<hbm>>) dst(%dma_wait3A_302 : memref<80x8xf32, #tpu.memory_space<vmem>>)
        %dma_wait3A_306 = arith.constant 3 : i32
        %dma_wait3A_307 = arith.constant 240 : i32
        %dma_wait3A_308 = arith.constant 0 : i32
        %dma_wait3A_309 = tpu.memref_slice %arg10[%dma_wait3A_307, %dma_wait3A_308] : memref<400x8xf32, #tpu.memory_space<vmem>> -> memref<80x8xf32, #tpu.memory_space<vmem>>
        %dma_wait3A_310 = arith.constant 0 : i32
        %dma_wait3A_311 = arith.constant 0 : i32
        %dma_wait3A_312 = tpu.memref_slice %arg2[%dma_wait3A_310, %dma_wait3A_311] : memref<100000x8xf32, #tpu.memory_space<hbm>> -> memref<80x8xf32, #tpu.memory_space<hbm>>
        %dma_wait3A_313 = tpu.memref_slice %arg15[%dma_wait3A_306] : memref<5x!tpu.dma_semaphore, #tpu.memory_space<semaphore_mem>> -> memref<1x!tpu.dma_semaphore, #tpu.memory_space<semaphore_mem>>
        %dma_wait3A_314 = tpu.memref_squeeze %dma_wait3A_313 : memref<1x!tpu.dma_semaphore, #tpu.memory_space<semaphore_mem>> -> memref<!tpu.dma_semaphore, #tpu.memory_space<semaphore_mem>>
        %dma_wait3A_315 = arith.constant 240 : i32
        %dma_wait3A_316 = arith.constant 0 : i32
        %dma_wait3A_317 = tpu.memref_slice %arg10[%dma_wait3A_315, %dma_wait3A_316] : memref<400x8xf32, #tpu.memory_space<vmem>> -> memref<80x8xf32, #tpu.memory_space<vmem>>
        %dma_wait3A_318 = arith.constant 0 : i32
        %dma_wait3A_319 = arith.constant 0 : i32
        %dma_wait3A_320 = tpu.memref_slice %arg2[%dma_wait3A_318, %dma_wait3A_319] : memref<100000x8xf32, #tpu.memory_space<hbm>> -> memref<80x8xf32, #tpu.memory_space<hbm>>
        tpu.wait_dma2 semaphore(%dma_wait3A_314 : memref<!tpu.dma_semaphore, #tpu.memory_space<semaphore_mem>>) src(%dma_wait3A_320 : memref<80x8xf32, #tpu.memory_space<hbm>>) dst(%dma_wait3A_317 : memref<80x8xf32, #tpu.memory_space<vmem>>)
        %scan3A_321 = arith.constant 0 : i32
        %scan3A_322 = arith.constant 5 : i32
        %scan3A_323 = arith.addi %scan3A_321, %scan3A_322 : i32
        %scan3A_324 = arith.constant 1 : i32
        scf.for %scan3A_371 = %scan3A_321 to %scan3A_323 step %scan3A_324  : i32 {
          %mul3A_372 = arith.constant 16 : i32
          %mul3A_373 = arith.muli %scan3A_371, %mul3A_372 : i32
          %add3A_374 = arith.constant 240 : i32
          %add3A_375 = arith.addi %add3A_374, %mul3A_373 : i32
          %add3A_376 = vector.broadcast %add3A_375 : i32 to vector<16xi32>
          %add3A_377 = arith.addi %add3A_376, %iota3A : vector<16xi32>
          %gather3A = tpu.vector_load_idx %arg9[%add3A_377, %broadcast_in_dim3A_5] : memref<400x8xf32, #tpu.memory_space<vmem>>[vector<16xi32>, vector<16xi32>], vector<16xf32>,
          %gather3A_378 = tpu.vector_load_idx %arg9[%add3A_377, %add3A_8] : memref<400x8xf32, #tpu.memory_space<vmem>>[vector<16xi32>, vector<16xi32>], vector<16xf32>,
          %gather3A_379 = tpu.vector_load_idx %arg9[%add3A_377, %add3A_11] : memref<400x8xf32, #tpu.memory_space<vmem>>[vector<16xi32>, vector<16xi32>], vector<16xf32>,
          %gather3A_380 = tpu.vector_load_idx %arg9[%add3A_377, %add3A_14] : memref<400x8xf32, #tpu.memory_space<vmem>>[vector<16xi32>, vector<16xi32>], vector<16xf32>,
          %gather3A_381 = tpu.vector_load_idx %arg10[%add3A_377, %broadcast_in_dim3A_5] : memref<400x8xf32, #tpu.memory_space<vmem>>[vector<16xi32>, vector<16xi32>], vector<16xf32>,
          %gather3A_382 = tpu.vector_load_idx %arg10[%add3A_377, %add3A_8] : memref<400x8xf32, #tpu.memory_space<vmem>>[vector<16xi32>, vector<16xi32>], vector<16xf32>,
          %gather3A_383 = tpu.vector_load_idx %arg10[%add3A_377, %add3A_11] : memref<400x8xf32, #tpu.memory_space<vmem>>[vector<16xi32>, vector<16xi32>], vector<16xf32>,
          %sub3A = arith.subf %gather3A, %gather3A_381 : vector<16xf32>
          %sub3A_384 = arith.subf %gather3A_378, %gather3A_382 : vector<16xf32>
          %sub3A_385 = arith.subf %gather3A_379, %gather3A_383 : vector<16xf32>
          %mul3A_386 = arith.mulf %sub3A, %sub3A : vector<16xf32>
          %mul3A_387 = arith.mulf %sub3A_384, %sub3A_384 : vector<16xf32>
          %add3A_388 = arith.addf %mul3A_386, %mul3A_387 : vector<16xf32>
          %mul3A_389 = arith.mulf %sub3A_385, %sub3A_385 : vector<16xf32>
          %add3A_390 = arith.addf %add3A_388, %mul3A_389 : vector<16xf32>
          %bitcast_convert_type3A = tpu.bitcast %add3A_390 : vector<16xf32> -> vector<16xi32>
          %shift_right_arithmetic3A = arith.constant 1 : i32
          %shift_right_arithmetic3A_391 = vector.broadcast %shift_right_arithmetic3A : i32 to vector<16xi32>
          %shift_right_arithmetic3A_392 = arith.shrsi %bitcast_convert_type3A, %shift_right_arithmetic3A_391 : vector<16xi32>
          %sub3A_393 = arith.constant 1597463007 : i32
          %sub3A_394 = vector.broadcast %sub3A_393 : i32 to vector<16xi32>
          %sub3A_395 = arith.subi %sub3A_394, %shift_right_arithmetic3A_392 : vector<16xi32>
          %bitcast_convert_type3A_396 = tpu.bitcast %sub3A_395 : vector<16xi32> -> vector<16xf32>
          %mul3A_397 = arith.constant 5.000000e-01 : f32
          %mul3A_398 = vector.broadcast %mul3A_397 : f32 to vector<16xf32>
          %mul3A_399 = arith.mulf %mul3A_398, %add3A_390 : vector<16xf32>
          %mul3A_400 = arith.mulf %mul3A_399, %bitcast_convert_type3A_396 : vector<16xf32>
          %mul3A_401 = arith.mulf %mul3A_400, %bitcast_convert_type3A_396 : vector<16xf32>
          %sub3A_402 = arith.constant 1.500000e+00 : f32
          %sub3A_403 = vector.broadcast %sub3A_402 : f32 to vector<16xf32>
          %sub3A_404 = arith.subf %sub3A_403, %mul3A_401 : vector<16xf32>
          %mul3A_405 = arith.mulf %bitcast_convert_type3A_396, %sub3A_404 : vector<16xf32>
          %mul3A_406 = arith.constant 5.000000e-01 : f32
          %mul3A_407 = vector.broadcast %mul3A_406 : f32 to vector<16xf32>
          %mul3A_408 = arith.mulf %mul3A_407, %add3A_390 : vector<16xf32>
          %mul3A_409 = arith.mulf %mul3A_408, %mul3A_405 : vector<16xf32>
          %mul3A_410 = arith.mulf %mul3A_409, %mul3A_405 : vector<16xf32>
          %sub3A_411 = arith.constant 1.500000e+00 : f32
          %sub3A_412 = vector.broadcast %sub3A_411 : f32 to vector<16xf32>
          %sub3A_413 = arith.subf %sub3A_412, %mul3A_410 : vector<16xf32>
          %mul3A_414 = arith.mulf %mul3A_405, %sub3A_413 : vector<16xf32>
          %mul3A_415 = arith.constant 5.000000e-01 : f32
          %mul3A_416 = vector.broadcast %mul3A_415 : f32 to vector<16xf32>
          %mul3A_417 = arith.mulf %mul3A_416, %add3A_390 : vector<16xf32>
          %mul3A_418 = arith.mulf %mul3A_417, %mul3A_414 : vector<16xf32>
          %mul3A_419 = arith.mulf %mul3A_418, %mul3A_414 : vector<16xf32>
          %sub3A_420 = arith.constant 1.500000e+00 : f32
          %sub3A_421 = vector.broadcast %sub3A_420 : f32 to vector<16xf32>
          %sub3A_422 = arith.subf %sub3A_421, %mul3A_419 : vector<16xf32>
          %mul3A_423 = arith.mulf %mul3A_414, %sub3A_422 : vector<16xf32>
          %gt3A = arith.constant 0.000000e+00 : f32
          %gt3A_424 = vector.broadcast %gt3A : f32 to vector<16xf32>
          %gt3A_425 = arith.cmpf ogt, %add3A_390, %gt3A_424 : vector<16xf32>
          %mul3A_426 = arith.mulf %add3A_390, %mul3A_423 : vector<16xf32>
          %jit3A = arith.constant 0.000000e+00 : f32
          %broadcast_in_dim3A_427 = vector.broadcast %jit3A : f32 to vector<16xf32>
          %select_n3A = arith.select %gt3A_425, %mul3A_426, %broadcast_in_dim3A_427 : vector<16xi1>, vector<16xf32>
          %sub3A_428 = arith.constant 1.000000e+00 : f32
          %sub3A_429 = vector.broadcast %sub3A_428 : f32 to vector<16xf32>
          %sub3A_430 = arith.subf %select_n3A, %sub3A_429 : vector<16xf32>
          %sub3A_431 = arith.constant 1.000000e+00 : f32
          %sub3A_432 = vector.broadcast %sub3A_431 : f32 to vector<16xf32>
          %sub3A_433 = arith.subf %select_n3A, %sub3A_432 : vector<16xf32>
          %mul3A_434 = arith.mulf %sub3A_430, %sub3A_433 : vector<16xf32>
          %mul3A_435 = arith.constant 1024 : i32
          %mul3A_436 = vector.broadcast %mul3A_435 : i32 to vector<16xi32>
          %mul3A_437 = arith.muli %iota3A, %mul3A_436 : vector<16xi32>
          %convert_element_type3A_438 = arith.fptosi %gather3A_380 : vector<16xf32> to vector<16xi32>
          %add3A_439 = arith.addi %mul3A_437, %convert_element_type3A_438 : vector<16xi32>
          tpu.vector_store_idx %arg11[%add3A_439], %mul3A_434 {add = true} : memref<16384xf32, #tpu.memory_space<vmem>>[vector<16xi32>], vector<16xf32>,
          tpu.vector_store_idx %arg12[%add3A_439], %broadcast_in_dim3A_3 {add = true} : memref<16384xf32, #tpu.memory_space<vmem>>[vector<16xi32>], vector<16xf32>,
        }
        %scan3A_325 = arith.constant 5 : i32
        %lt3A_326 = arith.constant 9 : i32
        %lt3A_327 = arith.cmpi slt, %scan3A_174, %lt3A_326 : i32
        %convert_element_type3A_328 = arith.extui %lt3A_327 : i1 to i32
        %cond3A_329 = arith.constant 0 : i32
        %cond3A_330 = arith.cmpi ne, %convert_element_type3A_328, %cond3A_329 : i32
        scf.if %cond3A_330 {
          %add3A_371 = arith.constant 1 : i32
          %add3A_372 = arith.addi %scan3A_174, %add3A_371 : i32
          %mul3A_373 = arith.constant 5 : i32
          %mul3A_374 = arith.muli %add3A_372, %mul3A_373 : i32
          %add3A_375 = arith.constant 3 : i32
          %add3A_376 = arith.addi %mul3A_374, %add3A_375 : i32
          %dma_start3A_377 = arith.constant 3 : i32
          %dma_start3A_378 = arith.constant 240 : i32
          %dma_start3A_379 = arith.constant 0 : i32
          %dma_start3A_380 = tpu.memref_slice %arg9[%dma_start3A_378, %dma_start3A_379] : memref<400x8xf32, #tpu.memory_space<vmem>> -> memref<80x8xf32, #tpu.memory_space<vmem>>
          %dma_start3A_381 = arith.constant 0 : i32
          %dma_start3A_382 = tpu.memref_slice %arg7[%add3A_376, %dma_start3A_381] : memref<50x80xi32, #tpu.memory_space<vmem>> -> memref<1x80xi32, #tpu.memory_space<vmem>>
          %dma_start3A_383 = tpu.memref_squeeze %dma_start3A_382 : memref<1x80xi32, #tpu.memory_space<vmem>> -> memref<80xi32, #tpu.memory_space<vmem>>
          %dma_start3A_384 = arith.constant 0 : i32
          %dma_start3A_385 = arith.constant 0 : i32
          %dma_start3A_386 = tpu.memref_slice %arg2[%dma_start3A_384, %dma_start3A_385] : memref<100000x8xf32, #tpu.memory_space<hbm>> -> memref<100000x8xf32, #tpu.memory_space<hbm>>
          %dma_start3A_387 = tpu.memref_slice %arg14[%dma_start3A_377] : memref<5x!tpu.dma_semaphore, #tpu.memory_space<semaphore_mem>> -> memref<1x!tpu.dma_semaphore, #tpu.memory_space<semaphore_mem>>
          %dma_start3A_388 = tpu.memref_squeeze %dma_start3A_387 : memref<1x!tpu.dma_semaphore, #tpu.memory_space<semaphore_mem>> -> memref<!tpu.dma_semaphore, #tpu.memory_space<semaphore_mem>>
          tpu.enqueue_indirect_dma source(%dma_start3A_386 : memref<100000x8xf32, #tpu.memory_space<hbm>>) target(%dma_start3A_380 : memref<80x8xf32, #tpu.memory_space<vmem>>) offsets(%dma_start3A_383 : memref<80xi32, #tpu.memory_space<vmem>>) semaphore(%dma_start3A_388 : memref<!tpu.dma_semaphore, #tpu.memory_space<semaphore_mem>>)
          %dma_start3A_389 = arith.constant 3 : i32
          %dma_start3A_390 = arith.constant 240 : i32
          %dma_start3A_391 = arith.constant 0 : i32
          %dma_start3A_392 = tpu.memref_slice %arg10[%dma_start3A_390, %dma_start3A_391] : memref<400x8xf32, #tpu.memory_space<vmem>> -> memref<80x8xf32, #tpu.memory_space<vmem>>
          %dma_start3A_393 = arith.constant 0 : i32
          %dma_start3A_394 = tpu.memref_slice %arg8[%add3A_376, %dma_start3A_393] : memref<50x80xi32, #tpu.memory_space<vmem>> -> memref<1x80xi32, #tpu.memory_space<vmem>>
          %dma_start3A_395 = tpu.memref_squeeze %dma_start3A_394 : memref<1x80xi32, #tpu.memory_space<vmem>> -> memref<80xi32, #tpu.memory_space<vmem>>
          %dma_start3A_396 = arith.constant 0 : i32
          %dma_start3A_397 = arith.constant 0 : i32
          %dma_start3A_398 = tpu.memref_slice %arg2[%dma_start3A_396, %dma_start3A_397] : memref<100000x8xf32, #tpu.memory_space<hbm>> -> memref<100000x8xf32, #tpu.memory_space<hbm>>
          %dma_start3A_399 = tpu.memref_slice %arg15[%dma_start3A_389] : memref<5x!tpu.dma_semaphore, #tpu.memory_space<semaphore_mem>> -> memref<1x!tpu.dma_semaphore, #tpu.memory_space<semaphore_mem>>
          %dma_start3A_400 = tpu.memref_squeeze %dma_start3A_399 : memref<1x!tpu.dma_semaphore, #tpu.memory_space<semaphore_mem>> -> memref<!tpu.dma_semaphore, #tpu.memory_space<semaphore_mem>>
          tpu.enqueue_indirect_dma source(%dma_start3A_398 : memref<100000x8xf32, #tpu.memory_space<hbm>>) target(%dma_start3A_392 : memref<80x8xf32, #tpu.memory_space<vmem>>) offsets(%dma_start3A_395 : memref<80xi32, #tpu.memory_space<vmem>>) semaphore(%dma_start3A_400 : memref<!tpu.dma_semaphore, #tpu.memory_space<semaphore_mem>>)
        } else {
        }
        %dma_wait3A_331 = arith.constant 4 : i32
        %dma_wait3A_332 = arith.constant 320 : i32
        %dma_wait3A_333 = arith.constant 0 : i32
        %dma_wait3A_334 = tpu.memref_slice %arg9[%dma_wait3A_332, %dma_wait3A_333] : memref<400x8xf32, #tpu.memory_space<vmem>> -> memref<80x8xf32, #tpu.memory_space<vmem>>
        %dma_wait3A_335 = arith.constant 0 : i32
        %dma_wait3A_336 = arith.constant 0 : i32
        %dma_wait3A_337 = tpu.memref_slice %arg2[%dma_wait3A_335, %dma_wait3A_336] : memref<100000x8xf32, #tpu.memory_space<hbm>> -> memref<80x8xf32, #tpu.memory_space<hbm>>
        %dma_wait3A_338 = tpu.memref_slice %arg14[%dma_wait3A_331] : memref<5x!tpu.dma_semaphore, #tpu.memory_space<semaphore_mem>> -> memref<1x!tpu.dma_semaphore, #tpu.memory_space<semaphore_mem>>
        %dma_wait3A_339 = tpu.memref_squeeze %dma_wait3A_338 : memref<1x!tpu.dma_semaphore, #tpu.memory_space<semaphore_mem>> -> memref<!tpu.dma_semaphore, #tpu.memory_space<semaphore_mem>>
        %dma_wait3A_340 = arith.constant 320 : i32
        %dma_wait3A_341 = arith.constant 0 : i32
        %dma_wait3A_342 = tpu.memref_slice %arg9[%dma_wait3A_340, %dma_wait3A_341] : memref<400x8xf32, #tpu.memory_space<vmem>> -> memref<80x8xf32, #tpu.memory_space<vmem>>
        %dma_wait3A_343 = arith.constant 0 : i32
        %dma_wait3A_344 = arith.constant 0 : i32
        %dma_wait3A_345 = tpu.memref_slice %arg2[%dma_wait3A_343, %dma_wait3A_344] : memref<100000x8xf32, #tpu.memory_space<hbm>> -> memref<80x8xf32, #tpu.memory_space<hbm>>
        tpu.wait_dma2 semaphore(%dma_wait3A_339 : memref<!tpu.dma_semaphore, #tpu.memory_space<semaphore_mem>>) src(%dma_wait3A_345 : memref<80x8xf32, #tpu.memory_space<hbm>>) dst(%dma_wait3A_342 : memref<80x8xf32, #tpu.memory_space<vmem>>)
        %dma_wait3A_346 = arith.constant 4 : i32
        %dma_wait3A_347 = arith.constant 320 : i32
        %dma_wait3A_348 = arith.constant 0 : i32
        %dma_wait3A_349 = tpu.memref_slice %arg10[%dma_wait3A_347, %dma_wait3A_348] : memref<400x8xf32, #tpu.memory_space<vmem>> -> memref<80x8xf32, #tpu.memory_space<vmem>>
        %dma_wait3A_350 = arith.constant 0 : i32
        %dma_wait3A_351 = arith.constant 0 : i32
        %dma_wait3A_352 = tpu.memref_slice %arg2[%dma_wait3A_350, %dma_wait3A_351] : memref<100000x8xf32, #tpu.memory_space<hbm>> -> memref<80x8xf32, #tpu.memory_space<hbm>>
        %dma_wait3A_353 = tpu.memref_slice %arg15[%dma_wait3A_346] : memref<5x!tpu.dma_semaphore, #tpu.memory_space<semaphore_mem>> -> memref<1x!tpu.dma_semaphore, #tpu.memory_space<semaphore_mem>>
        %dma_wait3A_354 = tpu.memref_squeeze %dma_wait3A_353 : memref<1x!tpu.dma_semaphore, #tpu.memory_space<semaphore_mem>> -> memref<!tpu.dma_semaphore, #tpu.memory_space<semaphore_mem>>
        %dma_wait3A_355 = arith.constant 320 : i32
        %dma_wait3A_356 = arith.constant 0 : i32
        %dma_wait3A_357 = tpu.memref_slice %arg10[%dma_wait3A_355, %dma_wait3A_356] : memref<400x8xf32, #tpu.memory_space<vmem>> -> memref<80x8xf32, #tpu.memory_space<vmem>>
        %dma_wait3A_358 = arith.constant 0 : i32
        %dma_wait3A_359 = arith.constant 0 : i32
        %dma_wait3A_360 = tpu.memref_slice %arg2[%dma_wait3A_358, %dma_wait3A_359] : memref<100000x8xf32, #tpu.memory_space<hbm>> -> memref<80x8xf32, #tpu.memory_space<hbm>>
        tpu.wait_dma2 semaphore(%dma_wait3A_354 : memref<!tpu.dma_semaphore, #tpu.memory_space<semaphore_mem>>) src(%dma_wait3A_360 : memref<80x8xf32, #tpu.memory_space<hbm>>) dst(%dma_wait3A_357 : memref<80x8xf32, #tpu.memory_space<vmem>>)
        %scan3A_361 = arith.constant 0 : i32
        %scan3A_362 = arith.constant 5 : i32
        %scan3A_363 = arith.addi %scan3A_361, %scan3A_362 : i32
        %scan3A_364 = arith.constant 1 : i32
        scf.for %scan3A_371 = %scan3A_361 to %scan3A_363 step %scan3A_364  : i32 {
          %mul3A_372 = arith.constant 16 : i32
          %mul3A_373 = arith.muli %scan3A_371, %mul3A_372 : i32
          %add3A_374 = arith.constant 320 : i32
          %add3A_375 = arith.addi %add3A_374, %mul3A_373 : i32
          %add3A_376 = vector.broadcast %add3A_375 : i32 to vector<16xi32>
          %add3A_377 = arith.addi %add3A_376, %iota3A : vector<16xi32>
          %gather3A = tpu.vector_load_idx %arg9[%add3A_377, %broadcast_in_dim3A_5] : memref<400x8xf32, #tpu.memory_space<vmem>>[vector<16xi32>, vector<16xi32>], vector<16xf32>,
          %gather3A_378 = tpu.vector_load_idx %arg9[%add3A_377, %add3A_8] : memref<400x8xf32, #tpu.memory_space<vmem>>[vector<16xi32>, vector<16xi32>], vector<16xf32>,
          %gather3A_379 = tpu.vector_load_idx %arg9[%add3A_377, %add3A_11] : memref<400x8xf32, #tpu.memory_space<vmem>>[vector<16xi32>, vector<16xi32>], vector<16xf32>,
          %gather3A_380 = tpu.vector_load_idx %arg9[%add3A_377, %add3A_14] : memref<400x8xf32, #tpu.memory_space<vmem>>[vector<16xi32>, vector<16xi32>], vector<16xf32>,
          %gather3A_381 = tpu.vector_load_idx %arg10[%add3A_377, %broadcast_in_dim3A_5] : memref<400x8xf32, #tpu.memory_space<vmem>>[vector<16xi32>, vector<16xi32>], vector<16xf32>,
          %gather3A_382 = tpu.vector_load_idx %arg10[%add3A_377, %add3A_8] : memref<400x8xf32, #tpu.memory_space<vmem>>[vector<16xi32>, vector<16xi32>], vector<16xf32>,
          %gather3A_383 = tpu.vector_load_idx %arg10[%add3A_377, %add3A_11] : memref<400x8xf32, #tpu.memory_space<vmem>>[vector<16xi32>, vector<16xi32>], vector<16xf32>,
          %sub3A = arith.subf %gather3A, %gather3A_381 : vector<16xf32>
          %sub3A_384 = arith.subf %gather3A_378, %gather3A_382 : vector<16xf32>
          %sub3A_385 = arith.subf %gather3A_379, %gather3A_383 : vector<16xf32>
          %mul3A_386 = arith.mulf %sub3A, %sub3A : vector<16xf32>
          %mul3A_387 = arith.mulf %sub3A_384, %sub3A_384 : vector<16xf32>
          %add3A_388 = arith.addf %mul3A_386, %mul3A_387 : vector<16xf32>
          %mul3A_389 = arith.mulf %sub3A_385, %sub3A_385 : vector<16xf32>
          %add3A_390 = arith.addf %add3A_388, %mul3A_389 : vector<16xf32>
          %bitcast_convert_type3A = tpu.bitcast %add3A_390 : vector<16xf32> -> vector<16xi32>
          %shift_right_arithmetic3A = arith.constant 1 : i32
          %shift_right_arithmetic3A_391 = vector.broadcast %shift_right_arithmetic3A : i32 to vector<16xi32>
          %shift_right_arithmetic3A_392 = arith.shrsi %bitcast_convert_type3A, %shift_right_arithmetic3A_391 : vector<16xi32>
          %sub3A_393 = arith.constant 1597463007 : i32
          %sub3A_394 = vector.broadcast %sub3A_393 : i32 to vector<16xi32>
          %sub3A_395 = arith.subi %sub3A_394, %shift_right_arithmetic3A_392 : vector<16xi32>
          %bitcast_convert_type3A_396 = tpu.bitcast %sub3A_395 : vector<16xi32> -> vector<16xf32>
          %mul3A_397 = arith.constant 5.000000e-01 : f32
          %mul3A_398 = vector.broadcast %mul3A_397 : f32 to vector<16xf32>
          %mul3A_399 = arith.mulf %mul3A_398, %add3A_390 : vector<16xf32>
          %mul3A_400 = arith.mulf %mul3A_399, %bitcast_convert_type3A_396 : vector<16xf32>
          %mul3A_401 = arith.mulf %mul3A_400, %bitcast_convert_type3A_396 : vector<16xf32>
          %sub3A_402 = arith.constant 1.500000e+00 : f32
          %sub3A_403 = vector.broadcast %sub3A_402 : f32 to vector<16xf32>
          %sub3A_404 = arith.subf %sub3A_403, %mul3A_401 : vector<16xf32>
          %mul3A_405 = arith.mulf %bitcast_convert_type3A_396, %sub3A_404 : vector<16xf32>
          %mul3A_406 = arith.constant 5.000000e-01 : f32
          %mul3A_407 = vector.broadcast %mul3A_406 : f32 to vector<16xf32>
          %mul3A_408 = arith.mulf %mul3A_407, %add3A_390 : vector<16xf32>
          %mul3A_409 = arith.mulf %mul3A_408, %mul3A_405 : vector<16xf32>
          %mul3A_410 = arith.mulf %mul3A_409, %mul3A_405 : vector<16xf32>
          %sub3A_411 = arith.constant 1.500000e+00 : f32
          %sub3A_412 = vector.broadcast %sub3A_411 : f32 to vector<16xf32>
          %sub3A_413 = arith.subf %sub3A_412, %mul3A_410 : vector<16xf32>
          %mul3A_414 = arith.mulf %mul3A_405, %sub3A_413 : vector<16xf32>
          %mul3A_415 = arith.constant 5.000000e-01 : f32
          %mul3A_416 = vector.broadcast %mul3A_415 : f32 to vector<16xf32>
          %mul3A_417 = arith.mulf %mul3A_416, %add3A_390 : vector<16xf32>
          %mul3A_418 = arith.mulf %mul3A_417, %mul3A_414 : vector<16xf32>
          %mul3A_419 = arith.mulf %mul3A_418, %mul3A_414 : vector<16xf32>
          %sub3A_420 = arith.constant 1.500000e+00 : f32
          %sub3A_421 = vector.broadcast %sub3A_420 : f32 to vector<16xf32>
          %sub3A_422 = arith.subf %sub3A_421, %mul3A_419 : vector<16xf32>
          %mul3A_423 = arith.mulf %mul3A_414, %sub3A_422 : vector<16xf32>
          %gt3A = arith.constant 0.000000e+00 : f32
          %gt3A_424 = vector.broadcast %gt3A : f32 to vector<16xf32>
          %gt3A_425 = arith.cmpf ogt, %add3A_390, %gt3A_424 : vector<16xf32>
          %mul3A_426 = arith.mulf %add3A_390, %mul3A_423 : vector<16xf32>
          %jit3A = arith.constant 0.000000e+00 : f32
          %broadcast_in_dim3A_427 = vector.broadcast %jit3A : f32 to vector<16xf32>
          %select_n3A = arith.select %gt3A_425, %mul3A_426, %broadcast_in_dim3A_427 : vector<16xi1>, vector<16xf32>
          %sub3A_428 = arith.constant 1.000000e+00 : f32
          %sub3A_429 = vector.broadcast %sub3A_428 : f32 to vector<16xf32>
          %sub3A_430 = arith.subf %select_n3A, %sub3A_429 : vector<16xf32>
          %sub3A_431 = arith.constant 1.000000e+00 : f32
          %sub3A_432 = vector.broadcast %sub3A_431 : f32 to vector<16xf32>
          %sub3A_433 = arith.subf %select_n3A, %sub3A_432 : vector<16xf32>
          %mul3A_434 = arith.mulf %sub3A_430, %sub3A_433 : vector<16xf32>
          %mul3A_435 = arith.constant 1024 : i32
          %mul3A_436 = vector.broadcast %mul3A_435 : i32 to vector<16xi32>
          %mul3A_437 = arith.muli %iota3A, %mul3A_436 : vector<16xi32>
          %convert_element_type3A_438 = arith.fptosi %gather3A_380 : vector<16xf32> to vector<16xi32>
          %add3A_439 = arith.addi %mul3A_437, %convert_element_type3A_438 : vector<16xi32>
          tpu.vector_store_idx %arg11[%add3A_439], %mul3A_434 {add = true} : memref<16384xf32, #tpu.memory_space<vmem>>[vector<16xi32>], vector<16xf32>,
          tpu.vector_store_idx %arg12[%add3A_439], %broadcast_in_dim3A_3 {add = true} : memref<16384xf32, #tpu.memory_space<vmem>>[vector<16xi32>], vector<16xf32>,
        }
        %scan3A_365 = arith.constant 5 : i32
        %lt3A_366 = arith.constant 9 : i32
        %lt3A_367 = arith.cmpi slt, %scan3A_174, %lt3A_366 : i32
        %convert_element_type3A_368 = arith.extui %lt3A_367 : i1 to i32
        %cond3A_369 = arith.constant 0 : i32
        %cond3A_370 = arith.cmpi ne, %convert_element_type3A_368, %cond3A_369 : i32
        scf.if %cond3A_370 {
          %add3A_371 = arith.constant 1 : i32
          %add3A_372 = arith.addi %scan3A_174, %add3A_371 : i32
          %mul3A_373 = arith.constant 5 : i32
          %mul3A_374 = arith.muli %add3A_372, %mul3A_373 : i32
          %add3A_375 = arith.constant 4 : i32
          %add3A_376 = arith.addi %mul3A_374, %add3A_375 : i32
          %dma_start3A_377 = arith.constant 4 : i32
          %dma_start3A_378 = arith.constant 320 : i32
          %dma_start3A_379 = arith.constant 0 : i32
          %dma_start3A_380 = tpu.memref_slice %arg9[%dma_start3A_378, %dma_start3A_379] : memref<400x8xf32, #tpu.memory_space<vmem>> -> memref<80x8xf32, #tpu.memory_space<vmem>>
          %dma_start3A_381 = arith.constant 0 : i32
          %dma_start3A_382 = tpu.memref_slice %arg7[%add3A_376, %dma_start3A_381] : memref<50x80xi32, #tpu.memory_space<vmem>> -> memref<1x80xi32, #tpu.memory_space<vmem>>
          %dma_start3A_383 = tpu.memref_squeeze %dma_start3A_382 : memref<1x80xi32, #tpu.memory_space<vmem>> -> memref<80xi32, #tpu.memory_space<vmem>>
          %dma_start3A_384 = arith.constant 0 : i32
          %dma_start3A_385 = arith.constant 0 : i32
          %dma_start3A_386 = tpu.memref_slice %arg2[%dma_start3A_384, %dma_start3A_385] : memref<100000x8xf32, #tpu.memory_space<hbm>> -> memref<100000x8xf32, #tpu.memory_space<hbm>>
          %dma_start3A_387 = tpu.memref_slice %arg14[%dma_start3A_377] : memref<5x!tpu.dma_semaphore, #tpu.memory_space<semaphore_mem>> -> memref<1x!tpu.dma_semaphore, #tpu.memory_space<semaphore_mem>>
          %dma_start3A_388 = tpu.memref_squeeze %dma_start3A_387 : memref<1x!tpu.dma_semaphore, #tpu.memory_space<semaphore_mem>> -> memref<!tpu.dma_semaphore, #tpu.memory_space<semaphore_mem>>
          tpu.enqueue_indirect_dma source(%dma_start3A_386 : memref<100000x8xf32, #tpu.memory_space<hbm>>) target(%dma_start3A_380 : memref<80x8xf32, #tpu.memory_space<vmem>>) offsets(%dma_start3A_383 : memref<80xi32, #tpu.memory_space<vmem>>) semaphore(%dma_start3A_388 : memref<!tpu.dma_semaphore, #tpu.memory_space<semaphore_mem>>)
          %dma_start3A_389 = arith.constant 4 : i32
          %dma_start3A_390 = arith.constant 320 : i32
          %dma_start3A_391 = arith.constant 0 : i32
          %dma_start3A_392 = tpu.memref_slice %arg10[%dma_start3A_390, %dma_start3A_391] : memref<400x8xf32, #tpu.memory_space<vmem>> -> memref<80x8xf32, #tpu.memory_space<vmem>>
          %dma_start3A_393 = arith.constant 0 : i32
          %dma_start3A_394 = tpu.memref_slice %arg8[%add3A_376, %dma_start3A_393] : memref<50x80xi32, #tpu.memory_space<vmem>> -> memref<1x80xi32, #tpu.memory_space<vmem>>
          %dma_start3A_395 = tpu.memref_squeeze %dma_start3A_394 : memref<1x80xi32, #tpu.memory_space<vmem>> -> memref<80xi32, #tpu.memory_space<vmem>>
          %dma_start3A_396 = arith.constant 0 : i32
          %dma_start3A_397 = arith.constant 0 : i32
          %dma_start3A_398 = tpu.memref_slice %arg2[%dma_start3A_396, %dma_start3A_397] : memref<100000x8xf32, #tpu.memory_space<hbm>> -> memref<100000x8xf32, #tpu.memory_space<hbm>>
          %dma_start3A_399 = tpu.memref_slice %arg15[%dma_start3A_389] : memref<5x!tpu.dma_semaphore, #tpu.memory_space<semaphore_mem>> -> memref<1x!tpu.dma_semaphore, #tpu.memory_space<semaphore_mem>>
          %dma_start3A_400 = tpu.memref_squeeze %dma_start3A_399 : memref<1x!tpu.dma_semaphore, #tpu.memory_space<semaphore_mem>> -> memref<!tpu.dma_semaphore, #tpu.memory_space<semaphore_mem>>
          tpu.enqueue_indirect_dma source(%dma_start3A_398 : memref<100000x8xf32, #tpu.memory_space<hbm>>) target(%dma_start3A_392 : memref<80x8xf32, #tpu.memory_space<vmem>>) offsets(%dma_start3A_395 : memref<80xi32, #tpu.memory_space<vmem>>) semaphore(%dma_start3A_400 : memref<!tpu.dma_semaphore, #tpu.memory_space<semaphore_mem>>)
        } else {
        }
      }
      %scan3A_173 = arith.constant 10 : i32
    }
    %scan3A_23 = arith.constant 50 : i32
    %scan3A_24 = arith.constant 0 : i32
    %scan3A_25 = arith.constant 64 : i32
    %scan3A_26 = arith.addi %scan3A_24, %scan3A_25 : i32
    %scan3A_27 = arith.constant 1 : i32
    scf.for %scan3A_34 = %scan3A_24 to %scan3A_26 step %scan3A_27  : i32 {
      %mul3A_35 = arith.constant 16 : i32
      %mul3A_36 = arith.muli %scan3A_34, %mul3A_35 : i32
      %get3A = arith.index_cast %mul3A_36 : i32 to index
      %get3A_37 = tpu.vector_load %arg11[%get3A] {strides = array<i32>} : memref<16384xf32, #tpu.memory_space<vmem>>, vector<16xf32>,
      %add3A_38 = arith.constant 1024 : i32
      %add3A_39 = arith.addi %add3A_38, %mul3A_36 : i32
      %get3A_40 = arith.index_cast %add3A_39 : i32 to index
      %get3A_41 = tpu.vector_load %arg11[%get3A_40] {strides = array<i32>} : memref<16384xf32, #tpu.memory_space<vmem>>, vector<16xf32>,
      %add3A_42 = arith.addf %get3A_37, %get3A_41 : vector<16xf32>
      %add3A_43 = arith.constant 2048 : i32
      %add3A_44 = arith.addi %add3A_43, %mul3A_36 : i32
      %get3A_45 = arith.index_cast %add3A_44 : i32 to index
      %get3A_46 = tpu.vector_load %arg11[%get3A_45] {strides = array<i32>} : memref<16384xf32, #tpu.memory_space<vmem>>, vector<16xf32>,
      %add3A_47 = arith.addf %add3A_42, %get3A_46 : vector<16xf32>
      %add3A_48 = arith.constant 3072 : i32
      %add3A_49 = arith.addi %add3A_48, %mul3A_36 : i32
      %get3A_50 = arith.index_cast %add3A_49 : i32 to index
      %get3A_51 = tpu.vector_load %arg11[%get3A_50] {strides = array<i32>} : memref<16384xf32, #tpu.memory_space<vmem>>, vector<16xf32>,
      %add3A_52 = arith.addf %add3A_47, %get3A_51 : vector<16xf32>
      %add3A_53 = arith.constant 4096 : i32
      %add3A_54 = arith.addi %add3A_53, %mul3A_36 : i32
      %get3A_55 = arith.index_cast %add3A_54 : i32 to index
      %get3A_56 = tpu.vector_load %arg11[%get3A_55] {strides = array<i32>} : memref<16384xf32, #tpu.memory_space<vmem>>, vector<16xf32>,
      %add3A_57 = arith.addf %add3A_52, %get3A_56 : vector<16xf32>
      %add3A_58 = arith.constant 5120 : i32
      %add3A_59 = arith.addi %add3A_58, %mul3A_36 : i32
      %get3A_60 = arith.index_cast %add3A_59 : i32 to index
      %get3A_61 = tpu.vector_load %arg11[%get3A_60] {strides = array<i32>} : memref<16384xf32, #tpu.memory_space<vmem>>, vector<16xf32>,
      %add3A_62 = arith.addf %add3A_57, %get3A_61 : vector<16xf32>
      %add3A_63 = arith.constant 6144 : i32
      %add3A_64 = arith.addi %add3A_63, %mul3A_36 : i32
      %get3A_65 = arith.index_cast %add3A_64 : i32 to index
      %get3A_66 = tpu.vector_load %arg11[%get3A_65] {strides = array<i32>} : memref<16384xf32, #tpu.memory_space<vmem>>, vector<16xf32>,
      %add3A_67 = arith.addf %add3A_62, %get3A_66 : vector<16xf32>
      %add3A_68 = arith.constant 7168 : i32
      %add3A_69 = arith.addi %add3A_68, %mul3A_36 : i32
      %get3A_70 = arith.index_cast %add3A_69 : i32 to index
      %get3A_71 = tpu.vector_load %arg11[%get3A_70] {strides = array<i32>} : memref<16384xf32, #tpu.memory_space<vmem>>, vector<16xf32>,
      %add3A_72 = arith.addf %add3A_67, %get3A_71 : vector<16xf32>
      %add3A_73 = arith.constant 8192 : i32
      %add3A_74 = arith.addi %add3A_73, %mul3A_36 : i32
      %get3A_75 = arith.index_cast %add3A_74 : i32 to index
      %get3A_76 = tpu.vector_load %arg11[%get3A_75] {strides = array<i32>} : memref<16384xf32, #tpu.memory_space<vmem>>, vector<16xf32>,
      %add3A_77 = arith.addf %add3A_72, %get3A_76 : vector<16xf32>
      %add3A_78 = arith.constant 9216 : i32
      %add3A_79 = arith.addi %add3A_78, %mul3A_36 : i32
      %get3A_80 = arith.index_cast %add3A_79 : i32 to index
      %get3A_81 = tpu.vector_load %arg11[%get3A_80] {strides = array<i32>} : memref<16384xf32, #tpu.memory_space<vmem>>, vector<16xf32>,
      %add3A_82 = arith.addf %add3A_77, %get3A_81 : vector<16xf32>
      %add3A_83 = arith.constant 10240 : i32
      %add3A_84 = arith.addi %add3A_83, %mul3A_36 : i32
      %get3A_85 = arith.index_cast %add3A_84 : i32 to index
      %get3A_86 = tpu.vector_load %arg11[%get3A_85] {strides = array<i32>} : memref<16384xf32, #tpu.memory_space<vmem>>, vector<16xf32>,
      %add3A_87 = arith.addf %add3A_82, %get3A_86 : vector<16xf32>
      %add3A_88 = arith.constant 11264 : i32
      %add3A_89 = arith.addi %add3A_88, %mul3A_36 : i32
      %get3A_90 = arith.index_cast %add3A_89 : i32 to index
      %get3A_91 = tpu.vector_load %arg11[%get3A_90] {strides = array<i32>} : memref<16384xf32, #tpu.memory_space<vmem>>, vector<16xf32>,
      %add3A_92 = arith.addf %add3A_87, %get3A_91 : vector<16xf32>
      %add3A_93 = arith.constant 12288 : i32
      %add3A_94 = arith.addi %add3A_93, %mul3A_36 : i32
      %get3A_95 = arith.index_cast %add3A_94 : i32 to index
      %get3A_96 = tpu.vector_load %arg11[%get3A_95] {strides = array<i32>} : memref<16384xf32, #tpu.memory_space<vmem>>, vector<16xf32>,
      %add3A_97 = arith.addf %add3A_92, %get3A_96 : vector<16xf32>
      %add3A_98 = arith.constant 13312 : i32
      %add3A_99 = arith.addi %add3A_98, %mul3A_36 : i32
      %get3A_100 = arith.index_cast %add3A_99 : i32 to index
      %get3A_101 = tpu.vector_load %arg11[%get3A_100] {strides = array<i32>} : memref<16384xf32, #tpu.memory_space<vmem>>, vector<16xf32>,
      %add3A_102 = arith.addf %add3A_97, %get3A_101 : vector<16xf32>
      %add3A_103 = arith.constant 14336 : i32
      %add3A_104 = arith.addi %add3A_103, %mul3A_36 : i32
      %get3A_105 = arith.index_cast %add3A_104 : i32 to index
      %get3A_106 = tpu.vector_load %arg11[%get3A_105] {strides = array<i32>} : memref<16384xf32, #tpu.memory_space<vmem>>, vector<16xf32>,
      %add3A_107 = arith.addf %add3A_102, %get3A_106 : vector<16xf32>
      %add3A_108 = arith.constant 15360 : i32
      %add3A_109 = arith.addi %add3A_108, %mul3A_36 : i32
      %get3A_110 = arith.index_cast %add3A_109 : i32 to index
      %get3A_111 = tpu.vector_load %arg11[%get3A_110] {strides = array<i32>} : memref<16384xf32, #tpu.memory_space<vmem>>, vector<16xf32>,
      %add3A_112 = arith.addf %add3A_107, %get3A_111 : vector<16xf32>
      %swap3A = arith.index_cast %mul3A_36 : i32 to index
      %swap3A_113 = tpu.vector_load %arg13[%swap3A] {strides = array<i32>} : memref<1024xf32, #tpu.memory_space<vmem>>, vector<16xf32>,
      tpu.vector_store %arg13[%swap3A], %add3A_112 {strides = array<i32>} : memref<1024xf32, #tpu.memory_space<vmem>>, vector<16xf32>,
    }
    %scan3A_28 = arith.constant 64 : i32
    "tpu.region"() ({
      %run_scoped3A = tpu.sem_alloc : memref<!tpu.dma_semaphore, #tpu.memory_space<semaphore_mem>>
      %dma_start3A = arith.constant 0 : i32
      %dma_start3A_34 = tpu.memref_slice %arg5[%add3A, %dma_start3A] : memref<32x1024xf32, #tpu.memory_space<hbm>> -> memref<1x1024xf32, #tpu.memory_space<hbm>>
      %dma_start3A_35 = tpu.memref_squeeze %dma_start3A_34 : memref<1x1024xf32, #tpu.memory_space<hbm>> -> memref<1024xf32, #tpu.memory_space<hbm>>
      %dma_start3A_36 = arith.constant 0 : i32
      %dma_start3A_37 = tpu.memref_slice %arg5[%add3A, %dma_start3A_36] : memref<32x1024xf32, #tpu.memory_space<hbm>> -> memref<1x1024xf32, #tpu.memory_space<hbm>>
      %dma_start3A_38 = tpu.memref_squeeze %dma_start3A_37 : memref<1x1024xf32, #tpu.memory_space<hbm>> -> memref<1024xf32, #tpu.memory_space<hbm>>
      tpu.enqueue_dma source(%arg13 : memref<1024xf32, #tpu.memory_space<vmem>>) target(%dma_start3A_38 : memref<1024xf32, #tpu.memory_space<hbm>>) target_semaphore(%run_scoped3A : memref<!tpu.dma_semaphore, #tpu.memory_space<semaphore_mem>>)
      %dma_wait3A = arith.constant 0 : i32
      %dma_wait3A_39 = tpu.memref_slice %arg5[%add3A, %dma_wait3A] : memref<32x1024xf32, #tpu.memory_space<hbm>> -> memref<1x1024xf32, #tpu.memory_space<hbm>>
      %dma_wait3A_40 = tpu.memref_squeeze %dma_wait3A_39 : memref<1x1024xf32, #tpu.memory_space<hbm>> -> memref<1024xf32, #tpu.memory_space<hbm>>
      %dma_wait3A_41 = arith.constant 0 : i32
      %dma_wait3A_42 = tpu.memref_slice %arg5[%add3A, %dma_wait3A_41] : memref<32x1024xf32, #tpu.memory_space<hbm>> -> memref<1x1024xf32, #tpu.memory_space<hbm>>
      %dma_wait3A_43 = tpu.memref_squeeze %dma_wait3A_42 : memref<1x1024xf32, #tpu.memory_space<hbm>> -> memref<1024xf32, #tpu.memory_space<hbm>>
      tpu.wait_dma2 semaphore(%run_scoped3A : memref<!tpu.dma_semaphore, #tpu.memory_space<semaphore_mem>>) src(%arg13 : memref<1024xf32, #tpu.memory_space<vmem>>) dst(%dma_wait3A_43 : memref<1024xf32, #tpu.memory_space<hbm>>)
      tpu.yield
    }) : () -> ()
    %scan3A_29 = arith.constant 0 : i32
    %scan3A_30 = arith.constant 64 : i32
    %scan3A_31 = arith.addi %scan3A_29, %scan3A_30 : i32
    %scan3A_32 = arith.constant 1 : i32
    scf.for %scan3A_34 = %scan3A_29 to %scan3A_31 step %scan3A_32  : i32 {
      %mul3A_35 = arith.constant 16 : i32
      %mul3A_36 = arith.muli %scan3A_34, %mul3A_35 : i32
      %get3A = arith.index_cast %mul3A_36 : i32 to index
      %get3A_37 = tpu.vector_load %arg12[%get3A] {strides = array<i32>} : memref<16384xf32, #tpu.memory_space<vmem>>, vector<16xf32>,
      %add3A_38 = arith.constant 1024 : i32
      %add3A_39 = arith.addi %add3A_38, %mul3A_36 : i32
      %get3A_40 = arith.index_cast %add3A_39 : i32 to index
      %get3A_41 = tpu.vector_load %arg12[%get3A_40] {strides = array<i32>} : memref<16384xf32, #tpu.memory_space<vmem>>, vector<16xf32>,
      %add3A_42 = arith.addf %get3A_37, %get3A_41 : vector<16xf32>
      %add3A_43 = arith.constant 2048 : i32
      %add3A_44 = arith.addi %add3A_43, %mul3A_36 : i32
      %get3A_45 = arith.index_cast %add3A_44 : i32 to index
      %get3A_46 = tpu.vector_load %arg12[%get3A_45] {strides = array<i32>} : memref<16384xf32, #tpu.memory_space<vmem>>, vector<16xf32>,
      %add3A_47 = arith.addf %add3A_42, %get3A_46 : vector<16xf32>
      %add3A_48 = arith.constant 3072 : i32
      %add3A_49 = arith.addi %add3A_48, %mul3A_36 : i32
      %get3A_50 = arith.index_cast %add3A_49 : i32 to index
      %get3A_51 = tpu.vector_load %arg12[%get3A_50] {strides = array<i32>} : memref<16384xf32, #tpu.memory_space<vmem>>, vector<16xf32>,
      %add3A_52 = arith.addf %add3A_47, %get3A_51 : vector<16xf32>
      %add3A_53 = arith.constant 4096 : i32
      %add3A_54 = arith.addi %add3A_53, %mul3A_36 : i32
      %get3A_55 = arith.index_cast %add3A_54 : i32 to index
      %get3A_56 = tpu.vector_load %arg12[%get3A_55] {strides = array<i32>} : memref<16384xf32, #tpu.memory_space<vmem>>, vector<16xf32>,
      %add3A_57 = arith.addf %add3A_52, %get3A_56 : vector<16xf32>
      %add3A_58 = arith.constant 5120 : i32
      %add3A_59 = arith.addi %add3A_58, %mul3A_36 : i32
      %get3A_60 = arith.index_cast %add3A_59 : i32 to index
      %get3A_61 = tpu.vector_load %arg12[%get3A_60] {strides = array<i32>} : memref<16384xf32, #tpu.memory_space<vmem>>, vector<16xf32>,
      %add3A_62 = arith.addf %add3A_57, %get3A_61 : vector<16xf32>
      %add3A_63 = arith.constant 6144 : i32
      %add3A_64 = arith.addi %add3A_63, %mul3A_36 : i32
      %get3A_65 = arith.index_cast %add3A_64 : i32 to index
      %get3A_66 = tpu.vector_load %arg12[%get3A_65] {strides = array<i32>} : memref<16384xf32, #tpu.memory_space<vmem>>, vector<16xf32>,
      %add3A_67 = arith.addf %add3A_62, %get3A_66 : vector<16xf32>
      %add3A_68 = arith.constant 7168 : i32
      %add3A_69 = arith.addi %add3A_68, %mul3A_36 : i32
      %get3A_70 = arith.index_cast %add3A_69 : i32 to index
      %get3A_71 = tpu.vector_load %arg12[%get3A_70] {strides = array<i32>} : memref<16384xf32, #tpu.memory_space<vmem>>, vector<16xf32>,
      %add3A_72 = arith.addf %add3A_67, %get3A_71 : vector<16xf32>
      %add3A_73 = arith.constant 8192 : i32
      %add3A_74 = arith.addi %add3A_73, %mul3A_36 : i32
      %get3A_75 = arith.index_cast %add3A_74 : i32 to index
      %get3A_76 = tpu.vector_load %arg12[%get3A_75] {strides = array<i32>} : memref<16384xf32, #tpu.memory_space<vmem>>, vector<16xf32>,
      %add3A_77 = arith.addf %add3A_72, %get3A_76 : vector<16xf32>
      %add3A_78 = arith.constant 9216 : i32
      %add3A_79 = arith.addi %add3A_78, %mul3A_36 : i32
      %get3A_80 = arith.index_cast %add3A_79 : i32 to index
      %get3A_81 = tpu.vector_load %arg12[%get3A_80] {strides = array<i32>} : memref<16384xf32, #tpu.memory_space<vmem>>, vector<16xf32>,
      %add3A_82 = arith.addf %add3A_77, %get3A_81 : vector<16xf32>
      %add3A_83 = arith.constant 10240 : i32
      %add3A_84 = arith.addi %add3A_83, %mul3A_36 : i32
      %get3A_85 = arith.index_cast %add3A_84 : i32 to index
      %get3A_86 = tpu.vector_load %arg12[%get3A_85] {strides = array<i32>} : memref<16384xf32, #tpu.memory_space<vmem>>, vector<16xf32>,
      %add3A_87 = arith.addf %add3A_82, %get3A_86 : vector<16xf32>
      %add3A_88 = arith.constant 11264 : i32
      %add3A_89 = arith.addi %add3A_88, %mul3A_36 : i32
      %get3A_90 = arith.index_cast %add3A_89 : i32 to index
      %get3A_91 = tpu.vector_load %arg12[%get3A_90] {strides = array<i32>} : memref<16384xf32, #tpu.memory_space<vmem>>, vector<16xf32>,
      %add3A_92 = arith.addf %add3A_87, %get3A_91 : vector<16xf32>
      %add3A_93 = arith.constant 12288 : i32
      %add3A_94 = arith.addi %add3A_93, %mul3A_36 : i32
      %get3A_95 = arith.index_cast %add3A_94 : i32 to index
      %get3A_96 = tpu.vector_load %arg12[%get3A_95] {strides = array<i32>} : memref<16384xf32, #tpu.memory_space<vmem>>, vector<16xf32>,
      %add3A_97 = arith.addf %add3A_92, %get3A_96 : vector<16xf32>
      %add3A_98 = arith.constant 13312 : i32
      %add3A_99 = arith.addi %add3A_98, %mul3A_36 : i32
      %get3A_100 = arith.index_cast %add3A_99 : i32 to index
      %get3A_101 = tpu.vector_load %arg12[%get3A_100] {strides = array<i32>} : memref<16384xf32, #tpu.memory_space<vmem>>, vector<16xf32>,
      %add3A_102 = arith.addf %add3A_97, %get3A_101 : vector<16xf32>
      %add3A_103 = arith.constant 14336 : i32
      %add3A_104 = arith.addi %add3A_103, %mul3A_36 : i32
      %get3A_105 = arith.index_cast %add3A_104 : i32 to index
      %get3A_106 = tpu.vector_load %arg12[%get3A_105] {strides = array<i32>} : memref<16384xf32, #tpu.memory_space<vmem>>, vector<16xf32>,
      %add3A_107 = arith.addf %add3A_102, %get3A_106 : vector<16xf32>
      %add3A_108 = arith.constant 15360 : i32
      %add3A_109 = arith.addi %add3A_108, %mul3A_36 : i32
      %get3A_110 = arith.index_cast %add3A_109 : i32 to index
      %get3A_111 = tpu.vector_load %arg12[%get3A_110] {strides = array<i32>} : memref<16384xf32, #tpu.memory_space<vmem>>, vector<16xf32>,
      %add3A_112 = arith.addf %add3A_107, %get3A_111 : vector<16xf32>
      %swap3A = arith.index_cast %mul3A_36 : i32 to index
      %swap3A_113 = tpu.vector_load %arg13[%swap3A] {strides = array<i32>} : memref<1024xf32, #tpu.memory_space<vmem>>, vector<16xf32>,
      tpu.vector_store %arg13[%swap3A], %add3A_112 {strides = array<i32>} : memref<1024xf32, #tpu.memory_space<vmem>>, vector<16xf32>,
    }
    %scan3A_33 = arith.constant 64 : i32
    "tpu.region"() ({
      %run_scoped3A = tpu.sem_alloc : memref<!tpu.dma_semaphore, #tpu.memory_space<semaphore_mem>>
      %dma_start3A = arith.constant 0 : i32
      %dma_start3A_34 = tpu.memref_slice %arg6[%add3A, %dma_start3A] : memref<32x1024xf32, #tpu.memory_space<hbm>> -> memref<1x1024xf32, #tpu.memory_space<hbm>>
      %dma_start3A_35 = tpu.memref_squeeze %dma_start3A_34 : memref<1x1024xf32, #tpu.memory_space<hbm>> -> memref<1024xf32, #tpu.memory_space<hbm>>
      %dma_start3A_36 = arith.constant 0 : i32
      %dma_start3A_37 = tpu.memref_slice %arg6[%add3A, %dma_start3A_36] : memref<32x1024xf32, #tpu.memory_space<hbm>> -> memref<1x1024xf32, #tpu.memory_space<hbm>>
      %dma_start3A_38 = tpu.memref_squeeze %dma_start3A_37 : memref<1x1024xf32, #tpu.memory_space<hbm>> -> memref<1024xf32, #tpu.memory_space<hbm>>
      tpu.enqueue_dma source(%arg13 : memref<1024xf32, #tpu.memory_space<vmem>>) target(%dma_start3A_38 : memref<1024xf32, #tpu.memory_space<hbm>>) target_semaphore(%run_scoped3A : memref<!tpu.dma_semaphore, #tpu.memory_space<semaphore_mem>>)
      %dma_wait3A = arith.constant 0 : i32
      %dma_wait3A_39 = tpu.memref_slice %arg6[%add3A, %dma_wait3A] : memref<32x1024xf32, #tpu.memory_space<hbm>> -> memref<1x1024xf32, #tpu.memory_space<hbm>>
      %dma_wait3A_40 = tpu.memref_squeeze %dma_wait3A_39 : memref<1x1024xf32, #tpu.memory_space<hbm>> -> memref<1024xf32, #tpu.memory_space<hbm>>
      %dma_wait3A_41 = arith.constant 0 : i32
      %dma_wait3A_42 = tpu.memref_slice %arg6[%add3A, %dma_wait3A_41] : memref<32x1024xf32, #tpu.memory_space<hbm>> -> memref<1x1024xf32, #tpu.memory_space<hbm>>
      %dma_wait3A_43 = tpu.memref_squeeze %dma_wait3A_42 : memref<1x1024xf32, #tpu.memory_space<hbm>> -> memref<1024xf32, #tpu.memory_space<hbm>>
      tpu.wait_dma2 semaphore(%run_scoped3A : memref<!tpu.dma_semaphore, #tpu.memory_space<semaphore_mem>>) src(%arg13 : memref<1024xf32, #tpu.memory_space<vmem>>) dst(%dma_wait3A_43 : memref<1024xf32, #tpu.memory_space<hbm>>)
      tpu.yield
    }) : () -> ()
    return
  }
}

module attributes {stable_mosaic.version = 14 : i64} {
  func.func @_final_body(%arg0: memref<32x1024xf32, #tpu.memory_space<vmem>>, %arg1: memref<32x1024xf32, #tpu.memory_space<vmem>>, %arg2: memref<1x1xf32, #tpu.memory_space<smem>>) attributes {dimension_semantics = [], scalar_prefetch = 0 : i64, scratch_operands = 0 : i64, tpu.core_type = #tpu.core_type<tc>} {
    %get3A = arith.constant 0 : index
    %get3A_0 = arith.constant 0 : index
    %get3A_1 = vector.load %arg0[%get3A, %get3A_0] : memref<32x1024xf32, #tpu.memory_space<vmem>>, vector<32x1024xf32>
    %reduce_sum3A = arith.constant dense<0.000000e+00> : vector<1024xf32>
    %reduce_sum3A_2 = vector.multi_reduction <add>, %get3A_1, %reduce_sum3A [0] : vector<32x1024xf32> to vector<1024xf32>
    %get3A_3 = arith.constant 0 : index
    %get3A_4 = arith.constant 0 : index
    %get3A_5 = vector.load %arg1[%get3A_3, %get3A_4] : memref<32x1024xf32, #tpu.memory_space<vmem>>, vector<32x1024xf32>
    %reduce_sum3A_6 = arith.constant dense<0.000000e+00> : vector<1024xf32>
    %reduce_sum3A_7 = vector.multi_reduction <add>, %get3A_5, %reduce_sum3A_6 [0] : vector<32x1024xf32> to vector<1024xf32>
    %max3A = arith.constant 1.000000e+00 : f32
    %max3A_8 = vector.broadcast %max3A : f32 to vector<1024xf32>
    %max3A_9 = arith.maximumf %reduce_sum3A_7, %max3A_8 : vector<1024xf32>
    %div3A = arith.divf %reduce_sum3A_2, %max3A_9 : vector<1024xf32>
    %reduce_sum3A_10 = vector.shape_cast %div3A : vector<1024xf32> to vector<1x1024xf32>
    %reduce_sum3A_11 = arith.constant dense<0.000000e+00> : vector<1xf32>
    %reduce_sum3A_12 = vector.multi_reduction <add>, %reduce_sum3A_10, %reduce_sum3A_11 [1] : vector<1x1024xf32> to vector<1xf32>
    %reduce_sum3A_13 = vector.shape_cast %reduce_sum3A_12 : vector<1xf32> to vector<1x1xf32>
    %reduce_sum3A_14 = vector.extract %reduce_sum3A_13[0, 0] : f32 from vector<1x1xf32>
    %mul3A = arith.constant 9.765625E-4 : f32
    %mul3A_15 = arith.mulf %reduce_sum3A_14, %mul3A : f32
    %swap3A = arith.constant 0 : index
    %swap3A_16 = arith.constant 0 : index
    %swap3A_17 = memref.load %arg2[%swap3A, %swap3A_16] : memref<1x1xf32, #tpu.memory_space<smem>>
    memref.store %mul3A_15, %arg2[%swap3A, %swap3A_16] : memref<1x1xf32, #tpu.memory_space<smem>>
    return
  }
}

</mosaic_0001>

<sc_bundles>
// kernel: kernel.4.cloned.1.call-start
scs
__scs_entry_jumppad:
0x0: {  	(pc) =	sbr.rel $0x88, $3  }
0x1: {  	(tag) =	ssettag $0x0;
	lr =	simm.s32 $0x1  }
0x2: {  	[smem:$0x3F9E] =	sst lr;
	_ =	strace $0xD0000000  }
0x3: {  	_ = 	snop  }
0x4: {  	_ = 	snop  }
0x5: {  	_ = 	snop  }
0x6: {  	_ = 	snop  }
0x7: {  	_ = 	snop  }
__scs_overlays_trampoline_lowered:
0x8: {  	[smem:$0x3FAD] =	sst s0  }
0x9: {  	[smem:$0x3FAE] =	sst s1  }
0xa: {  	[smem:$0x3FAF] =	sst s2  }
0xb: {  	[smem:$0x3FB0] =	sst s3  }
0xc: {  	[smem:$0x3FB1] =	sst s4  }
0xd: {  	[smem:$0x3FB2] =	sst s5  }
0xe: {  	[smem:$0x3FB3] =	sst s6  }
0xf: {  	[smem:$0x3FB4] =	sst s7  }
0x10: {  	[smem:$0x3FB5] =	sst s8  }
0x11: {  	[smem:$0x3FB6] =	sst s9;
	s0 =	simm.s32 @!p0 $0x0  }
0x12: {  	s1 =	sld [smem:$0x3F9C];
	s0 =	simm.s32 @p0 $0x1  }
0x13: {  	[smem:$0x3FB7] =	sst s0;
	s0 =	simm.s32 @!p1 $0x0  }
0x14: {  	s2 =	sld [smem:$0x3F9B];
	s0 =	simm.s32 @p1 $0x1  }
0x15: {  	[smem:$0x3FB8] =	sst s0;
	s0 =	simm.s32 @!p2 $0x0  }
0x16: {  	s3 =	sld [smem:$0x3FDB];
	s0 =	simm.s32 @p2 $0x1  }
0x17: {  	s4 =	simm.s32 $0x1BF5;
	[smem:$0x3FBA] =	sst s0  }
0x18: {  	s0 =	sld [smem:$0x3F9D];
	_ =	swait.ge [sflag:s4], $0x0  }
0x19: {  	s7 =	sld [smem:$0x3F9E]  }
0x1a: {  	s8 =	sadd.s32 $0xFFFFE003, lr  }
0x1b: {  	s9 =	sadd.s32 $0xFFFFFEF7, lr;
	s5 =	simm.s32 $0xFFFFFFFF;
	p2 =	slt.u32 s8, $0xFFFFF086  }
0x1c: {  	p1 =	slt.u32 s9, $0xF7A;
	s5 =	simm.s32 @!p2 $0x0  }
0x1d: {  	s5 =	simm.s32 @p1 $0x1;
	p0 =	seq.s32 s7, s2  }
0x1e: {  	s7 =	smul.u32 @!p0 $0xF7A, s2;
	p2 =	seq.s32 @!p0 s5, $0x0  }
0x1f: {  	s9 =	smul.u32 $0xF7A, s1;
	s8 =	simm.s32 @!p0 $0x1BF5;
	p2 =	por !p2, p0  }
0x20: {  	[sflag:s8] =	ssyncset.s32 @!p0 $0xFFFFF086;
	s6 =	sadd.s32 @!p0 s3, s7;
	s7 =	simm.s32 @!p0 $0x108  }
0x21: {  	s3 =	sadd.s32 s3, s9;
	s6 =	sadd.s32 @!p0 $0x88, s6;
	s7 =	simm.s32 @p2 $0x1082  }
0x22: {  	[simem:s7], [sflag:s8] =	dma.local @!p0 [hbm:s6], $0xF7A  }
0x23: {  	s9 =	sor.u32 $0xD0000000, s2;
	s6 =	simm.s32 $0x108;
	_ =	swait.ge @!p0 [sflag:s8], $0x0  }
0x24: {  	s3 =	sadd.s32 $0x88, s3;
	s6 =	simm.s32 @!p1 $0x1082;
	[sflag:s4] =	ssyncset.s32 $0xFFFFF086  }
0x25: {  	[simem:s6], [sflag:s4] =	dma.local [hbm:s3], $0xF7A  }
0x26: {  	[smem:$0x3F9E] =	sst s1;
	(tag) =	ssettag s2;
	_ =	strace s9  }
0x27: {  	s1 =	sld [smem:$0x3FAE]  }
0x28: {  	s2 =	sld [smem:$0x3FAF]  }
0x29: {  	s4 =	sld [smem:$0x3FB1]  }
0x2a: {  	p0 =	seq.s32 s5, $0x0;
	s5 =	sld [smem:$0x3FB2]  }
0x2b: {  	s6 =	sld [smem:$0x3FB3]  }
0x2c: {  	s7 =	sld [smem:$0x3FB4]  }
0x2d: {  	s3 =	simm.s32 $0x108;
	s8 =	sld [smem:$0x3FB5]  }
0x2e: {  	s3 =	simm.s32 @!p0 $0x1082;
	s9 =	sld [smem:$0x3FB6]  }
0x2f: {  	lr =	sadd.s32 s0, s3;
	s0 =	sld [smem:$0x3FAD]  }
0x30: {  	s3 =	sld [smem:$0x3FB0]  }
0x31: {  	[smem:$0x3FB9] =	sst s10  }
0x32: {  	s10 =	sld [smem:$0x3FB7];
	_ =	sdelay $0x3  }
0x33: {  	p0 =	seq.s32 s10, $0x1;
	s10 =	sld [smem:$0x3FB9];
	_ =	sdelay $0x3  }
0x34: {  	[smem:$0x3FB9] =	sst s10  }
0x35: {  	s10 =	sld [smem:$0x3FB8];
	_ =	sdelay $0x3  }
0x36: {  	p1 =	seq.s32 s10, $0x1;
	s10 =	sld [smem:$0x3FB9];
	_ =	sdelay $0x3  }
0x37: {  	[smem:$0x3FB9] =	sst s10  }
0x38: {  	s10 =	sld [smem:$0x3FBA]  }
0x39: {  	_ = 	snop;
	(pc) =	sbr.ind lr, $3  }
0x3a: {  	_ = 	snop  }
0x3b: {  	_ = 	snop  }
0x3c: {  	p2 =	seq.s32 s10, $0x1;
	s10 =	sld [smem:$0x3FB9]  }
0x3d: {  	_ =	shalt  }
0x3e: {  	_ =	shalt  }
0x3f: {  	_ =	shalt  }
0x40: {  	_ =	shalt  }
0x41: {  	_ =	shalt  }
0x42: {  	_ =	shalt  }
0x43: {  	_ =	shalt  }
0x44: {  	_ =	shalt  }
0x45: {  	_ =	shalt  }
0x46: {  	_ =	shalt  }
0x47: {  	_ =	shalt  }
0x48: {  	_ =	shalt  }
0x49: {  	_ =	shalt  }
0x4a: {  	_ =	shalt  }
0x4b: {  	_ =	shalt  }
0x4c: {  	_ =	shalt  }
0x4d: {  	_ =	shalt  }
0x4e: {  	_ =	shalt  }
0x4f: {  	_ =	shalt  }
0x50: {  	_ =	shalt  }
0x51: {  	_ =	shalt  }
0x52: {  	_ =	shalt  }
0x53: {  	_ =	shalt  }
0x54: {  	_ =	shalt  }
0x55: {  	_ =	shalt  }
0x56: {  	_ =	shalt  }
0x57: {  	_ =	shalt  }
0x58: {  	_ =	shalt  }
0x59: {  	_ =	shalt  }
0x5a: {  	_ =	shalt  }
0x5b: {  	_ =	shalt  }
0x5c: {  	_ =	shalt  }
0x5d: {  	_ =	shalt  }
0x5e: {  	_ =	shalt  }
0x5f: {  	_ =	shalt  }
0x60: {  	_ =	shalt  }
0x61: {  	_ =	shalt  }
0x62: {  	_ =	shalt  }
0x63: {  	_ =	shalt  }
0x64: {  	_ =	shalt  }
0x65: {  	_ =	shalt  }
0x66: {  	_ =	shalt  }
0x67: {  	_ =	shalt  }
0x68: {  	_ =	shalt  }
0x69: {  	_ =	shalt  }
0x6a: {  	_ =	shalt  }
0x6b: {  	_ =	shalt  }
0x6c: {  	_ =	shalt  }
0x6d: {  	_ =	shalt  }
0x6e: {  	_ =	shalt  }
0x6f: {  	_ =	shalt  }
0x70: {  	_ =	shalt  }
0x71: {  	_ =	shalt  }
0x72: {  	_ =	shalt  }
0x73: {  	_ =	shalt  }
0x74: {  	_ =	shalt  }
0x75: {  	_ =	shalt  }
0x76: {  	_ =	shalt  }
0x77: {  	_ =	shalt  }
0x78: {  	_ =	shalt  }
0x79: {  	_ =	shalt  }
0x7a: {  	_ =	shalt  }
0x7b: {  	_ =	shalt  }
0x7c: {  	_ =	shalt  }
0x7d: {  	_ =	shalt  }
0x7e: {  	_ =	shalt  }
0x7f: {  	_ =	shalt  }
0x80: {  	_ =	shalt  }
0x81: {  	_ =	shalt  }
0x82: {  	_ =	shalt  }
0x83: {  	_ =	shalt  }
0x84: {  	_ =	shalt  }
0x85: {  	_ =	shalt  }
0x86: {  	_ =	shalt  }
0x87: {  	_ =	shalt  }
.Lfunc_end0:
.L_simem_size_0:
called_computation_lowered:
.L_overlay_start_0:
0x88: {  	s2 =	sld [smem:$0x3FD9]  }
0x89: {  	s3 =	sld [smem:$0x3FFE];
	_ =	sdelay $0x1  }
0x8a: {  	s1 =	srdreg.scid  }
0x8b: {  	s0 =	sand.u32 $0x1, s1  }
0x8c: {  	s16 =	sshll.u32 s0, $0xA;
	s2 =	sadd.s32 s3, s2  }
0x8d: {  	s2 =	sadd.s32 s2, s16  }
0x8e: {  	[smem:$0x3FC5] =	sst s2  }
0x8f: {  	_ = 	snop  }
0x90: {  	(tm) =	ssettm $0x1  }
0x91: {  	s17 =	sld [smem:$0x3FFB];
	_ =	sdelay $0x3  }
0x92: {  	_ =	strace s17  }
0x93: {  	s2 =	sld [smem:$0x3FFC];
	_ =	sdelay $0x3  }
0x94: {  	_ =	strace s2  }
0x95: {  	s2 =	sld [smem:$0x3FFD];
	_ =	sdelay $0x3  }
0x96: {  	_ =	strace s2  }
0x97: {  	_ =	strace $0x8FFFFFFF  }
0x98: {  	s18 =	sld [smem:$0x3FDB];
	_ =	sdelay $0x1  }
0x99: {  	s19 =	simm.s32 $_scs_section_size  }
0x9a: {  	s4 =	simm.s32 $_size__tile_overlayer_lowered;
	s5 =	simm.s32 $_tile_overlayer_lowered  }
0x9b: {  	s22 =	simm.s32 $0x1BFF;
	s21 =	sshll.u32 s5, $0x1;
	s2 =	sadd.s32 s19, s18  }
0x9c: {  	s6 =	simm.s32 $0x0;
	s20 =	sshll.u32 s4, $0x1;
	s4 =	sadd.s32 s21, s2  }
0x9d: {  	[timem:s6], [sflag:s22] =	dma.local [hbm:s4], s20  }
0x9e: {  	_ =	swait.ge [sflag:s22], s20  }
0x9f: {  	s3 =	ssub.s32 $0x0, s20;
	[sflag:s22] =	ssyncset.done $0x0  }
0xa0: {  	[sflag:s22] =	ssyncadd.s32 s3;
	_ =	sdelay $0x1  }
0xa1: {  	s23 =	simm.s32 $0x1B8B  }
0xa2: {  	_ =	swait.ge [sflag:s23], $0x1  }
0xa3: {  	[sflag:s23] =	ssyncset.done $0x0  }
0xa4: {  	s25 =	simm.s32 $0x1B8E;
	s24 =	sld [smem:$0x3FFE];
	[sflag:s23] =	ssyncadd.s32 $0xFFFFFFFF  }
0xa5: {  	s26 =	simm.s32 $execute0_lowered;
	[smem:$0x3FD2] =	sst s25  }
0xa6: {  	s4 =	sshll.u32 s26, $0x1;
	_ =	strace $0x80000046;
	[dreg:$0x1] =	wrdreg $0xFFFFFFFF  }
0xa7: {  	s28 =	simm.s32 $_size_execute0_lowered;
	s2 =	sadd.s32 s2, s4;
	[dreg:$0x0] =	wrdreg $0x0  }
0xa8: {  	s4 =	sshll.u32 s28, $0x1;
	[dreg:$0x2] =	wrdreg s2  }
0xa9: {  	[dreg:$0x3] =	wrdreg s4  }
0xaa: {  	[dreg:$0x4] =	wrdreg $0xC0  }
0xab: {  	_ =	task [dreg:s6], $0x5FFFF  }
0xac: {  	[dreg:$0x1] =	wrdreg $0xFFFFFFFF  }
0xad: {  	[dreg:$0x0] =	wrdreg $0x60  }
0xae: {  	[dreg:$0x2] =	wrdreg s24  }
0xaf: {  	[dreg:$0x3] =	wrdreg $0x9  }
0xb0: {  	_ =	task.clear_ibuf [dreg:s6], $0x4FFFF;
	_ =	strace $0x90000046  }
0xb1: {  	s29 =	simm.s32 $0x9;
	_ =	strace $0x80000048  }
0xb2: {  	_ =	swait.ge [sflag:s29], $0x1  }
0xb3: {  	[sflag:s29] =	ssyncadd.s32 $0xFFFFFFFF  }
0xb4: {  	_ =	strace $0x90000048  }
0xb5: {  	_ =	sfence  }
0xb6: {  	s30 =	sld [smem:$0x0];
	_ =	sdelay $0x2  }
0xb7: {  	s31 =	sshll.u32 s1, $0xD;
	s1 =	sshrl.u32 s1, $0x2  }
0xb8: {  	s3 =	sand.u32 $0x4000, s31;
	s1 =	sadd.s32 s1, s30  }
0xb9: {  	s0 =	sor.u32 s3, s0;
	s1 =	sshll.u32 s1, $0x11  }
0xba: {  	s0 =	sor.u32 s1, s0  }
0xbb: {  	s0 =	sadd.s32 $0x8F2B, s0  }
0xbc: {  	[sflag:s0] =	ssyncadd.remote.s32 $0x1  }
0xbd: {  	_ =	sfence.sel $0xFFFF  }
0xbe: {  	[dreg:$0x0] =	wrdreg $0xFFFFFFFF;
	(pc) =	sbr.abs _section_cstart, $3  }
0xbf: {  	[dreg:$0x1] =	wrdreg $0xFFFFFFFF  }
0xc0: {  	_ =	task.clear_ibuf [dreg:s6], $0x2FFFF;
	_ =	strace $0x9FFFFFFF  }
0xc1: {  	(tm) =	ssettm $0x7FFFFFFF  }
tec
execute0_lowered:
.L_overlay_start_1:
0x0: {  	(tag) =	ssettag $0x1  }
0x1: {  	s0 =	rddreg [dreg:$0x0];
	s3 =	simm.s32 $0x0;
	s1 =	srdreg.scid  }
0x2: {  	s2 =	stileid.u32;
	s10 =	simm.s32 $0xB;
	s11 =	simm.s32 $0xFA0  }
0x3: {  	s12 =	simm.s32 $0x50;
	s13 =	simm.s32 $0x1F40;
	s14 =	simm.s32 $0x2BC0  }
0x4: {  	s28 =	simm.s32 $0x2940;
	s29 =	simm.s32 $0x10E0;
	s30 =	simm.s32 $0x35C0  }
0x5: {  	s31 =	simm.s32 $0x1;
	s7 =	simm.s32 $0x2;
	s8 =	simm.s32 $0x7  }
0x6: {  	s9 =	simm.s32 $0x3;
	s15 =	simm.s32 $0x8;
	s16 =	simm.s32 $0x4  }
0x7: {  	s17 =	simm.s32 $0x9;
	s18 =	simm.s32 $0x5;
	s19 =	simm.s32 $0xA  }
0x8: {  	s21 =	simm.s32 $0x0;
	s1 =	sand.u32 $0x1, s1;
	s2 =	sshll.u32 s2, $0x1  }
0x9: {  	[smem:$0x7FF] =	sst s3;
	s3 =	sadd.s32 $0x187400, s0;
	s2 =	sor.u32 s1, s2  }
0xa: {  	s4 =	sadd.s32 $0x19FC00, s0;
	s1 =	ssub.s32 $0x2, s1;
	s6 =	sshll.u32 s2, $0x7  }
0xb: {  	s5 =	sadd.s32 $0xA00, s0;
	s24 =	sshrl.u32 s1, $0x1;
	s0 =	sadd.s32 s6, s0  }
0xc: {  	_ =	strace $0x80000047;
	s1 =	ssub.s32 s1, s24;
	s25 =	sadd.s32 $0xC4000, s0  }
0xd: {  	s6 =	smul.u32 $0x32, s2;
	s0 =	sadd.s32 $0xC5000, s0;
	[dreg:$0x2] =	wrdreg s25  }
0xe: {  	v0 =	vimm.f32 $0.0e+00;
	v2 =	vlaneseq.u32;
	s2 =	simm.s32 $0x7840;
	s26 =	smax.u32 s1, $0x1;
	[dreg:$0x3] =	wrdreg s0  }
0xf: {  	v3 =	vimm.f32 $1.000000000e+00;
	v1 =	vmul.u32 $0x8, v2;
	v2 =	vmul.u32 $0x400, v2;
	s1 =	simm.s32 $0x3840;
	[dreg:$0x4] =	wrdreg s26;
	s0 =	simm.s32 $0x6  }
.LBB2_1:
0x10: {  	[dreg:$0x5] =	wrdreg s21;
	s20 =	simm.s32 $0x40;
	s21 =	simm.s32 $0x0  }
.LBB2_2:
0x11: {  	p0 =	sne.s32 s20, $0xFFC0;
	[tilespmem:s21+$0x3840] =	vst v0;
	s22 =	smov.u32 s20;
	s20 =	sadd.s32 $0x40, s20  }
.Ltmp0:
0x12: {  	[tilespmem:s21+$0x7840] =	vst v0;
	(pc) =	sbr.rel @p0 .LBB2_2-.Ltmp0, $2  }
0x13: {  	_ =	sdelay $0x2  }
0x14: {  	s21 =	sshra.s32 s22, $0x2  }
.Ltmp1:
0x15: {  	(pc) =	sbr.rel .LBB2_4-.Ltmp1, $3  }
0x16: {  	_ =	sdelay $0x1  }
0x17: {  	[tilespmem:s21+$0x3840] =	vst v0  }
0x18: {  	s20 =	simm.s32 $0x0;
	[tilespmem:s21+$0x7840] =	vst v0;
	s21 =	simm.s32 $0x0  }
.LBB2_17:
0x19: {  	s21 =	sadd.s32 $0x1, s21  }
0x1a: {  	p0 =	sne.s32 s21, $0x32  }
.Ltmp2:
0x1b: {  	_ = 	snop;
	(pc) =	sbr.rel @!p0 .LBB2_18-.Ltmp2, $1  }
0x1c: {  	_ =	sdelay $0x3  }
.LBB2_4:
0x1d: {  	s22 =	sadd.s32 s6, s21  }
0x1e: {  	s22 =	smul.u32 $0x1F4, s22;
	_ =	sdelay $0x1  }
0x1f: {  	s23 =	sadd.s32 s4, s22  }
0x20: {  	[tilespmem:s20], [sflag:$0xB] =	stream.linear.gather [hbm4b:s23+s20], $0xFA0, $0x38;
	[tilespmem:$0xBC40] =	vst v63  }
0x21: {  	_ =	swait.ge [sflag:s10], $0xFA0  }
0x22: {  	[sflag:s10] =	ssyncset.done $0x0  }
0x23: {  	s22 =	sadd.s32 s5, s22;
	[sflag:s10] =	ssyncadd.s32 $0xFFFFF060  }
0x24: {  	[tilespmem:s11], [sflag:$0xB] =	stream.linear.gather [hbm4b:s22+s20], $0xFA0, $0x38;
	[tilespmem:$0xBC40] =	vst v63  }
0x25: {  	_ =	swait.ge [sflag:s10], $0xFA0  }
0x26: {  	[sflag:s10] =	ssyncset.done $0x0  }
0x27: {  	[sflag:s10] =	ssyncadd.s32 $0xFFFFF060  }
0x28: {  	[tilespmem:s13], [sflag:$0x1] =	stream.indirect.gather [hbm4b:s3+s12], $0x8, s20, s12, $0xb8;
	[tilespmem:$0xBC40] =	vst v63  }
0x29: {  	_ = 	snop  }
0x2a: {  	[tilespmem:s14], [sflag:$0x6] =	stream.indirect.gather [hbm4b:s3+s12], $0x8, s11, s12, $0xb8;
	[tilespmem:$0xBC40] =	vst v63  }
0x2b: {  	s26 =	simm.s32 $0x21C0  }
0x2c: {  	[tilespmem:s26], [sflag:$0x2] =	stream.indirect.gather [hbm4b:s3+s12], $0x8, s12, s12, $0xb8;
	[tilespmem:$0xBC40] =	vst v63  }
0x2d: {  	s24 =	simm.s32 $0x2E40;
	s23 =	simm.s32 $0xFF0  }
0x2e: {  	[tilespmem:s24], [sflag:$0x7] =	stream.indirect.gather [hbm4b:s3+s12], $0x8, s23, s12, $0xb8;
	[tilespmem:$0xBC40] =	vst v63  }
0x2f: {  	s25 =	simm.s32 $0xA0;
	s26 =	simm.s32 $0x2440  }
0x30: {  	[tilespmem:s26], [sflag:$0x3] =	stream.indirect.gather [hbm4b:s3+s12], $0x8, s25, s12, $0xb8;
	[tilespmem:$0xBC40] =	vst v63  }
0x31: {  	s23 =	simm.s32 $0x1040;
	s24 =	simm.s32 $0x30C0  }
0x32: {  	[tilespmem:s24], [sflag:$0x8] =	stream.indirect.gather [hbm4b:s3+s12], $0x8, s23, s12, $0xb8;
	[tilespmem:$0xBC40] =	vst v63  }
0x33: {  	s25 =	simm.s32 $0xF0;
	s26 =	simm.s32 $0x26C0  }
0x34: {  	[tilespmem:s26], [sflag:$0x4] =	stream.indirect.gather [hbm4b:s3+s12], $0x8, s25, s12, $0xb8;
	[tilespmem:$0xBC40] =	vst v63  }
0x35: {  	s24 =	simm.s32 $0x1090;
	s25 =	simm.s32 $0x3340  }
0x36: {  	[tilespmem:s25], [sflag:$0x9] =	stream.indirect.gather [hbm4b:s3+s12], $0x8, s24, s12, $0xb8;
	[tilespmem:$0xBC40] =	vst v63  }
0x37: {  	s26 =	simm.s32 $0x140  }
0x38: {  	[tilespmem:s28], [sflag:$0x5] =	stream.indirect.gather [hbm4b:s3+s12], $0x8, s26, s12, $0xb8;
	[tilespmem:$0xBC40] =	vst v63  }
0x39: {  	s22 =	simm.s32 $0x0  }
0x3a: {  	[tilespmem:s30], [sflag:$0xA] =	stream.indirect.gather [hbm4b:s3+s12], $0x8, s29, s12, $0xb8;
	[tilespmem:$0xBC40] =	vst v63  }
.LBB2_5:
0x3b: {  	s23 =	simm.s32 $0x0  }
0x3c: {  	v4 =	vmov s23  }
0x3d: {  	_ =	swait.ge [sflag:s31], $0x280;
	v4 =	vshll.u32 v4, $0x3  }
0x3e: {  	[sflag:s31] =	ssyncset.done $0x0;
	v4 =	vor.u32 v1, v4  }
0x3f: {  	[sflag:s31] =	ssyncadd.s32 $0xFFFFFD80  }
0x40: {  	_ =	swait.ge [sflag:s0], $0x280;
	v5 =	vor.u32 $0x1, v4  }
0x41: {  	[sflag:s0] =	ssyncset.done $0x0  }
0x42: {  	v6 =	vor.u32 $0x2, v4;
	[sflag:s0] =	ssyncadd.s32 $0xFFFFFD80  }
0x43: {  	v8 =	vld.idx.msk [tilespmem:v4+s14+$0x0], $0xffff  }
0x44: {  	v9 =	vld.idx.msk [tilespmem:v4+s13+$0x0], $0xffff  }
0x45: {  	v7 =	vld.idx.msk [tilespmem:v5+s14+$0x0], $0xffff  }
0x46: {  	v5 =	vld.idx.msk [tilespmem:v5+s13+$0x0], $0xffff  }
0x47: {  	v10 =	vld.idx.msk [tilespmem:v6+s14+$0x0], $0xffff  }
0x48: {  	v6 =	vld.idx.msk [tilespmem:v6+s13+$0x0], $0xffff;
	_ =	sdelay $0x2  }
0x49: {  	v8 =	vsub.f32 v9, v8;
	v5 =	vsub.f32 v5, v7;
	_ =	sdelay $0x1  }
0x4a: {  	v6 =	vsub.f32 v6, v10;
	v7 =	vmul.f32 v8, v8;
	v5 =	vmul.f32 v5, v5;
	_ =	sdelay $0x1  }
0x4b: {  	v6 =	vmul.f32 v6, v6;
	v5 =	vadd.f32 v5, v7;
	_ =	sdelay $0x1  }
0x4c: {  	v5 =	vadd.f32 v6, v5;
	_ =	sdelay $0x1  }
0x4d: {  	v6 =	vshra.s32 v5, $0x1;
	v7 =	vmul.f32 $5.000000000e-01, v5  }
0x4e: {  	v6 =	vsub.s32 $0x5F3759DF, v6  }
0x4f: {  	v8 =	vmul.f32 v6, v7;
	_ =	sdelay $0x1  }
0x50: {  	v8 =	vmul.f32 v6, v8;
	_ =	sdelay $0x1  }
0x51: {  	v8 =	vsub.f32 $1.500000000e+00, v8;
	_ =	sdelay $0x1  }
0x52: {  	v6 =	vmul.f32 v6, v8;
	_ =	sdelay $0x1  }
0x53: {  	v8 =	vmul.f32 v6, v7;
	_ =	sdelay $0x1  }
0x54: {  	v8 =	vmul.f32 v8, v6;
	_ =	sdelay $0x1  }
0x55: {  	v8 =	vsub.f32 $1.500000000e+00, v8  }
0x56: {  	v4 =	vor.u32 $0x3, v4  }
0x57: {  	v6 =	vmul.f32 v8, v6;
	_ =	sdelay $0x1  }
0x58: {  	v7 =	vmul.f32 v6, v7;
	_ =	sdelay $0x1  }
0x59: {  	v4 =	vld.idx.msk [tilespmem:v4+s13+$0x0], $0xffff;
	v7 =	vmul.f32 v7, v6;
	_ =	sdelay $0x1  }
0x5a: {  	v7 =	vsub.f32 $1.500000000e+00, v7;
	_ =	sdelay $0x1  }
0x5b: {  	v6 =	vmul.f32 v7, v6  }
0x5c: {  	v4 =	vtrunc.f32 v4  }
0x5d: {  	s26 =	simm.s32 $0x10;
	v8 =	vcvt.f32.s32 v4;
	v6 =	vmul.f32 v6, v5  }
0x5e: {  	vm0 =	vgt.f32 v5, $0.0e+00;
	v7 =	vmov s26  }
0x5f: {  	v4 =	vshll.u32 v7, $0x3;
	v5 =	vadd.s32 v2, v8;
	v6 =	vadd.f32 $-1.000000000e+00, v6  }
0x60: {  	v4 =	vor.u32 v1, v4  }
0x61: {  	v7 =	vnsel vm0, $0xBF800000, v6;
	v6 =	vor.u32 $0x1, v4  }
0x62: {  	s23 =	simm.s32 $0x20;
	v7 =	vmul.f32 v7, v7  }
.LBB2_6:
0x63: {  	p0 =	sne.s32 s23, $0x40  }
0x64: {  	[tilespmem:v5+s1+$0x0] =	vst.idx.add.f32.msk $0xffff, v7  }
0x65: {  	v7 =	vor.u32 $0x2, v4;
	[tilespmem:v5+s2+$0x0] =	vst.idx.add.f32.msk $0xffff, v3  }
0x66: {  	v5 =	vld.idx.msk [tilespmem:v6+s14+$0x0], $0xffff  }
0x67: {  	v6 =	vld.idx.msk [tilespmem:v6+s13+$0x0], $0xffff  }
0x68: {  	v8 =	vld.idx.msk [tilespmem:v4+s14+$0x0], $0xffff  }
0x69: {  	v9 =	vld.idx.msk [tilespmem:v4+s13+$0x0], $0xffff  }
0x6a: {  	v10 =	vld.idx.msk [tilespmem:v7+s14+$0x0], $0xffff  }
0x6b: {  	v7 =	vld.idx.msk [tilespmem:v7+s13+$0x0], $0xffff;
	_ =	sdelay $0x3  }
0x6c: {  	v5 =	vsub.f32 v6, v5;
	v8 =	vsub.f32 v9, v8;
	_ =	sdelay $0x1  }
0x6d: {  	v5 =	vmul.f32 v5, v5;
	v6 =	vsub.f32 v7, v10;
	v7 =	vmul.f32 v8, v8;
	_ =	sdelay $0x1  }
0x6e: {  	v5 =	vadd.f32 v5, v7;
	v6 =	vmul.f32 v6, v6;
	_ =	sdelay $0x1  }
0x6f: {  	v6 =	vadd.f32 v6, v5;
	_ =	sdelay $0x1  }
0x70: {  	v5 =	vshra.s32 v6, $0x1;
	v7 =	vmul.f32 $5.000000000e-01, v6  }
0x71: {  	v5 =	vsub.s32 $0x5F3759DF, v5  }
0x72: {  	v8 =	vmul.f32 v5, v7;
	_ =	sdelay $0x1  }
0x73: {  	v8 =	vmul.f32 v5, v8;
	_ =	sdelay $0x1  }
0x74: {  	v8 =	vsub.f32 $1.500000000e+00, v8;
	_ =	sdelay $0x1  }
0x75: {  	v5 =	vmul.f32 v5, v8;
	_ =	sdelay $0x1  }
0x76: {  	v8 =	vmul.f32 v5, v7;
	_ =	sdelay $0x1  }
0x77: {  	v8 =	vmul.f32 v8, v5;
	_ =	sdelay $0x1  }
0x78: {  	v4 =	vor.u32 $0x3, v4;
	v8 =	vsub.f32 $1.500000000e+00, v8;
	_ =	sdelay $0x1  }
0x79: {  	v5 =	vmul.f32 v8, v5;
	_ =	sdelay $0x1  }
0x7a: {  	v7 =	vmul.f32 v5, v7  }
0x7b: {  	v4 =	vld.idx.msk [tilespmem:v4+s13+$0x0], $0xffff  }
0x7c: {  	v7 =	vmul.f32 v7, v5;
	_ =	sdelay $0x1  }
0x7d: {  	v7 =	vsub.f32 $1.500000000e+00, v7;
	_ =	sdelay $0x1  }
0x7e: {  	v5 =	vmul.f32 v7, v5  }
0x7f: {  	v4 =	vtrunc.f32 v4  }
0x80: {  	v5 =	vmul.f32 v5, v6;
	v4 =	vcvt.f32.s32 v4  }
.Ltmp3:
0x81: {  	v7 =	vmov s23;
	(pc) =	sbr.rel @p0 .LBB2_6-.Ltmp3, $4  }
0x82: {  	v7 =	vshll.u32 v7, $0x3;
	v8 =	vadd.f32 $-1.000000000e+00, v5;
	v5 =	vadd.s32 v2, v4  }
0x83: {  	vm0 =	vgt.f32 v6, $0.0e+00;
	v4 =	vor.u32 v1, v7  }
0x84: {  	v6 =	vor.u32 $0x1, v4;
	v7 =	vnsel vm0, $0xBF800000, v8  }
0x85: {  	s23 =	sadd.s32 $0x10, s23;
	v7 =	vmul.f32 v7, v7  }
0x86: {  	_ =	sdelay $0x3  }
0x87: {  	[tilespmem:v5+s1+$0x0] =	vst.idx.add.f32.msk $0xffff, v7  }
0x88: {  	v7 =	vor.u32 $0x2, v4;
	[tilespmem:v5+s2+$0x0] =	vst.idx.add.f32.msk $0xffff, v3  }
0x89: {  	v5 =	vld.idx.msk [tilespmem:v6+s14+$0x0], $0xffff  }
0x8a: {  	v6 =	vld.idx.msk [tilespmem:v6+s13+$0x0], $0xffff  }
0x8b: {  	v8 =	vld.idx.msk [tilespmem:v4+s14+$0x0], $0xffff  }
0x8c: {  	v9 =	vld.idx.msk [tilespmem:v4+s13+$0x0], $0xffff  }
0x8d: {  	v10 =	vld.idx.msk [tilespmem:v7+s14+$0x0], $0xffff  }
0x8e: {  	v7 =	vld.idx.msk [tilespmem:v7+s13+$0x0], $0xffff;
	_ =	sdelay $0x2  }
0x8f: {  	v8 =	vsub.f32 v9, v8;
	v5 =	vsub.f32 v6, v5;
	_ =	sdelay $0x1  }
0x90: {  	v5 =	vmul.f32 v5, v5;
	v6 =	vsub.f32 v7, v10;
	v7 =	vmul.f32 v8, v8;
	_ =	sdelay $0x1  }
0x91: {  	v5 =	vadd.f32 v5, v7;
	v6 =	vmul.f32 v6, v6;
	_ =	sdelay $0x1  }
0x92: {  	v5 =	vadd.f32 v6, v5;
	_ =	sdelay $0x1  }
0x93: {  	v6 =	vshra.s32 v5, $0x1;
	v7 =	vmul.f32 $5.000000000e-01, v5  }
0x94: {  	v6 =	vsub.s32 $0x5F3759DF, v6  }
0x95: {  	v8 =	vmul.f32 v6, v7;
	_ =	sdelay $0x1  }
0x96: {  	v8 =	vmul.f32 v6, v8;
	_ =	sdelay $0x1  }
0x97: {  	v8 =	vsub.f32 $1.500000000e+00, v8;
	_ =	sdelay $0x1  }
0x98: {  	v6 =	vmul.f32 v6, v8;
	_ =	sdelay $0x1  }
0x99: {  	v8 =	vmul.f32 v6, v7;
	_ =	sdelay $0x1  }
0x9a: {  	v8 =	vmul.f32 v8, v6;
	_ =	sdelay $0x1  }
0x9b: {  	v8 =	vsub.f32 $1.500000000e+00, v8  }
0x9c: {  	v4 =	vor.u32 $0x3, v4  }
0x9d: {  	v6 =	vmul.f32 v8, v6;
	_ =	sdelay $0x1  }
0x9e: {  	v7 =	vmul.f32 v6, v7;
	_ =	sdelay $0x1  }
0x9f: {  	v4 =	vld.idx.msk [tilespmem:v4+s13+$0x0], $0xffff;
	v7 =	vmul.f32 v7, v6;
	_ =	sdelay $0x1  }
0xa0: {  	v7 =	vsub.f32 $1.500000000e+00, v7;
	_ =	sdelay $0x1  }
0xa1: {  	v6 =	vmul.f32 v7, v6  }
0xa2: {  	v4 =	vtrunc.f32 v4  }
0xa3: {  	v4 =	vcvt.f32.s32 v4;
	v6 =	vmul.f32 v6, v5;
	_ =	sdelay $0x1  }
0xa4: {  	v4 =	vadd.s32 v2, v4;
	v6 =	vadd.f32 $-1.000000000e+00, v6  }
0xa5: {  	vm0 =	vgt.f32 v5, $0.0e+00  }
0xa6: {  	v5 =	vnsel vm0, $0xBF800000, v6  }
0xa7: {  	p0 =	seq.s32 s22, $0x9;
	v5 =	vmul.f32 v5, v5  }
0xa8: {  	s23 =	smul.u32 @!p0 $0x190, s22  }
0xa9: {  	[tilespmem:v4+s1+$0x0] =	vst.idx.add.f32.msk $0xffff, v5  }
0xaa: {  	s25 =	simm.s32 @!p0 $0x50;
	s26 =	simm.s32 @!p0 $0x1F40;
	s24 =	sadd.s32 @!p0 $0x190, s23;
	[tilespmem:v4+s2+$0x0] =	vst.idx.add.f32.msk $0xffff, v3  }
0xab: {  	[tilespmem:s26], [sflag:$0x1] =	stream.indirect.gather @!p0 [hbm4b:s3+s25], $0x8, s24, s25, $0xb8;
	[tilespmem:$0xBC40] =	vst v63  }
0xac: {  	s24 =	simm.s32 $0x50  }
0xad: {  	s26 =	sadd.s32 @!p0 $0x1130, s23;
	v4 =	vmov s24;
	s24 =	simm.s32 @!p0 $0x2BC0  }
0xae: {  	[tilespmem:s24], [sflag:$0x6] =	stream.indirect.gather @!p0 [hbm4b:s3+s25], $0x8, s26, s25, $0xb8;
	v4 =	vshll.u32 v4, $0x3;
	[tilespmem:$0xBC40] =	vst v63  }
0xaf: {  	_ =	swait.ge [sflag:s7], $0x280;
	v4 =	vor.u32 v1, v4  }
0xb0: {  	[sflag:s7] =	ssyncset.done $0x0;
	v5 =	vor.u32 $0x1, v4  }
0xb1: {  	[sflag:s7] =	ssyncadd.s32 $0xFFFFFD80  }
0xb2: {  	_ =	swait.ge [sflag:s8], $0x280  }
0xb3: {  	[sflag:s8] =	ssyncset.done $0x0  }
0xb4: {  	v6 =	vor.u32 $0x2, v4;
	[sflag:s8] =	ssyncadd.s32 $0xFFFFFD80  }
0xb5: {  	v7 =	vld.idx.msk [tilespmem:v5+s14+$0x0], $0xffff  }
0xb6: {  	v5 =	vld.idx.msk [tilespmem:v5+s13+$0x0], $0xffff  }
0xb7: {  	v8 =	vld.idx.msk [tilespmem:v4+s14+$0x0], $0xffff  }
0xb8: {  	v62 =	vld.idx.msk [tilespmem:v4+s13+$0x0], $0xffff  }
0xb9: {  	v63 =	vld.idx.msk [tilespmem:v6+s14+$0x0], $0xffff  }
0xba: {  	v6 =	vld.idx.msk [tilespmem:v6+s13+$0x0], $0xffff;
	_ =	sdelay $0x2  }
0xbb: {  	v8 =	vsub.f32 v62, v8;
	v5 =	vsub.f32 v5, v7;
	_ =	sdelay $0x1  }
0xbc: {  	v6 =	vsub.f32 v6, v63;
	v7 =	vmul.f32 v8, v8;
	v5 =	vmul.f32 v5, v5;
	_ =	sdelay $0x1  }
0xbd: {  	v6 =	vmul.f32 v6, v6;
	v5 =	vadd.f32 v5, v7;
	_ =	sdelay $0x1  }
0xbe: {  	v5 =	vadd.f32 v6, v5;
	_ =	sdelay $0x1  }
0xbf: {  	v6 =	vshra.s32 v5, $0x1;
	v7 =	vmul.f32 $5.000000000e-01, v5  }
0xc0: {  	v6 =	vsub.s32 $0x5F3759DF, v6  }
0xc1: {  	v8 =	vmul.f32 v6, v7;
	_ =	sdelay $0x1  }
0xc2: {  	v8 =	vmul.f32 v6, v8;
	_ =	sdelay $0x1  }
0xc3: {  	v8 =	vsub.f32 $1.500000000e+00, v8;
	_ =	sdelay $0x1  }
0xc4: {  	v6 =	vmul.f32 v6, v8;
	_ =	sdelay $0x1  }
0xc5: {  	v8 =	vmul.f32 v6, v7;
	_ =	sdelay $0x1  }
0xc6: {  	v8 =	vmul.f32 v8, v6;
	_ =	sdelay $0x1  }
0xc7: {  	v8 =	vsub.f32 $1.500000000e+00, v8  }
0xc8: {  	v4 =	vor.u32 $0x3, v4  }
0xc9: {  	v6 =	vmul.f32 v8, v6;
	_ =	sdelay $0x1  }
0xca: {  	v7 =	vmul.f32 v6, v7;
	_ =	sdelay $0x1  }
0xcb: {  	v4 =	vld.idx.msk [tilespmem:v4+s13+$0x0], $0xffff;
	v7 =	vmul.f32 v7, v6;
	_ =	sdelay $0x1  }
0xcc: {  	v7 =	vsub.f32 $1.500000000e+00, v7;
	_ =	sdelay $0x1  }
0xcd: {  	v6 =	vmul.f32 v7, v6  }
0xce: {  	v4 =	vtrunc.f32 v4  }
0xcf: {  	s26 =	simm.s32 $0x60;
	v8 =	vcvt.f32.s32 v4;
	v6 =	vmul.f32 v6, v5  }
0xd0: {  	vm15 =	vgt.f32 v5, $0.0e+00;
	v7 =	vmov s26  }
0xd1: {  	v4 =	vshll.u32 v7, $0x3;
	v5 =	vadd.s32 v2, v8;
	v6 =	vadd.f32 $-1.000000000e+00, v6  }
0xd2: {  	v4 =	vor.u32 v1, v4  }
0xd3: {  	v7 =	vnsel vm15, $0xBF800000, v6;
	v6 =	vor.u32 $0x1, v4  }
0xd4: {  	s24 =	simm.s32 $0x70;
	v7 =	vmul.f32 v7, v7  }
.LBB2_8:
0xd5: {  	p1 =	sne.s32 s24, $0x90  }
0xd6: {  	[tilespmem:v5+s1+$0x0] =	vst.idx.add.f32.msk $0xffff, v7  }
0xd7: {  	v7 =	vor.u32 $0x2, v4;
	[tilespmem:v5+s2+$0x0] =	vst.idx.add.f32.msk $0xffff, v3  }
0xd8: {  	v5 =	vld.idx.msk [tilespmem:v6+s14+$0x0], $0xffff  }
0xd9: {  	v6 =	vld.idx.msk [tilespmem:v6+s13+$0x0], $0xffff  }
0xda: {  	v8 =	vld.idx.msk [tilespmem:v4+s14+$0x0], $0xffff  }
0xdb: {  	v9 =	vld.idx.msk [tilespmem:v4+s13+$0x0], $0xffff  }
0xdc: {  	v10 =	vld.idx.msk [tilespmem:v7+s14+$0x0], $0xffff  }
0xdd: {  	v7 =	vld.idx.msk [tilespmem:v7+s13+$0x0], $0xffff;
	_ =	sdelay $0x3  }
0xde: {  	v5 =	vsub.f32 v6, v5;
	v8 =	vsub.f32 v9, v8;
	_ =	sdelay $0x1  }
0xdf: {  	v5 =	vmul.f32 v5, v5;
	v6 =	vsub.f32 v7, v10;
	v7 =	vmul.f32 v8, v8;
	_ =	sdelay $0x1  }
0xe0: {  	v5 =	vadd.f32 v5, v7;
	v6 =	vmul.f32 v6, v6;
	_ =	sdelay $0x1  }
0xe1: {  	v6 =	vadd.f32 v6, v5;
	_ =	sdelay $0x1  }
0xe2: {  	v5 =	vshra.s32 v6, $0x1;
	v7 =	vmul.f32 $5.000000000e-01, v6  }
0xe3: {  	v5 =	vsub.s32 $0x5F3759DF, v5  }
0xe4: {  	v8 =	vmul.f32 v5, v7;
	_ =	sdelay $0x1  }
0xe5: {  	v8 =	vmul.f32 v5, v8;
	_ =	sdelay $0x1  }
0xe6: {  	v8 =	vsub.f32 $1.500000000e+00, v8;
	_ =	sdelay $0x1  }
0xe7: {  	v5 =	vmul.f32 v5, v8;
	_ =	sdelay $0x1  }
0xe8: {  	v8 =	vmul.f32 v5, v7;
	_ =	sdelay $0x1  }
0xe9: {  	v8 =	vmul.f32 v8, v5;
	_ =	sdelay $0x1  }
0xea: {  	v4 =	vor.u32 $0x3, v4;
	v8 =	vsub.f32 $1.500000000e+00, v8;
	_ =	sdelay $0x1  }
0xeb: {  	v5 =	vmul.f32 v8, v5;
	_ =	sdelay $0x1  }
0xec: {  	v7 =	vmul.f32 v5, v7  }
0xed: {  	v4 =	vld.idx.msk [tilespmem:v4+s13+$0x0], $0xffff  }
0xee: {  	v7 =	vmul.f32 v7, v5;
	_ =	sdelay $0x1  }
0xef: {  	v7 =	vsub.f32 $1.500000000e+00, v7;
	_ =	sdelay $0x1  }
0xf0: {  	v5 =	vmul.f32 v7, v5  }
0xf1: {  	v4 =	vtrunc.f32 v4  }
0xf2: {  	v5 =	vmul.f32 v5, v6;
	v4 =	vcvt.f32.s32 v4  }
.Ltmp4:
0xf3: {  	v7 =	vmov s24;
	(pc) =	sbr.rel @p1 .LBB2_8-.Ltmp4, $4  }
0xf4: {  	v7 =	vshll.u32 v7, $0x3;
	v8 =	vadd.f32 $-1.000000000e+00, v5;
	v5 =	vadd.s32 v2, v4  }
0xf5: {  	vm0 =	vgt.f32 v6, $0.0e+00;
	v4 =	vor.u32 v1, v7  }
0xf6: {  	v6 =	vor.u32 $0x1, v4;
	v7 =	vnsel vm0, $0xBF800000, v8  }
0xf7: {  	s24 =	sadd.s32 $0x10, s24;
	v7 =	vmul.f32 v7, v7  }
0xf8: {  	_ =	sdelay $0x3  }
0xf9: {  	[tilespmem:v5+s1+$0x0] =	vst.idx.add.f32.msk $0xffff, v7  }
0xfa: {  	v7 =	vor.u32 $0x2, v4;
	[tilespmem:v5+s2+$0x0] =	vst.idx.add.f32.msk $0xffff, v3  }
0xfb: {  	v5 =	vld.idx.msk [tilespmem:v6+s14+$0x0], $0xffff  }
0xfc: {  	v6 =	vld.idx.msk [tilespmem:v6+s13+$0x0], $0xffff  }
0xfd: {  	v8 =	vld.idx.msk [tilespmem:v4+s14+$0x0], $0xffff  }
0xfe: {  	v9 =	vld.idx.msk [tilespmem:v4+s13+$0x0], $0xffff  }
0xff: {  	v10 =	vld.idx.msk [tilespmem:v7+s14+$0x0], $0xffff  }
0x100: {  	v7 =	vld.idx.msk [tilespmem:v7+s13+$0x0], $0xffff;
	_ =	sdelay $0x2  }
0x101: {  	v8 =	vsub.f32 v9, v8;
	v5 =	vsub.f32 v6, v5;
	_ =	sdelay $0x1  }
0x102: {  	v5 =	vmul.f32 v5, v5;
	v6 =	vsub.f32 v7, v10;
	v7 =	vmul.f32 v8, v8;
	_ =	sdelay $0x1  }
0x103: {  	v5 =	vadd.f32 v5, v7;
	v6 =	vmul.f32 v6, v6;
	_ =	sdelay $0x1  }
0x104: {  	v5 =	vadd.f32 v6, v5;
	_ =	sdelay $0x1  }
0x105: {  	v6 =	vshra.s32 v5, $0x1;
	v7 =	vmul.f32 $5.000000000e-01, v5  }
0x106: {  	v6 =	vsub.s32 $0x5F3759DF, v6  }
0x107: {  	v8 =	vmul.f32 v6, v7;
	_ =	sdelay $0x1  }
0x108: {  	v8 =	vmul.f32 v6, v8;
	_ =	sdelay $0x1  }
0x109: {  	v8 =	vsub.f32 $1.500000000e+00, v8;
	_ =	sdelay $0x1  }
0x10a: {  	v6 =	vmul.f32 v6, v8;
	_ =	sdelay $0x1  }
0x10b: {  	v8 =	vmul.f32 v6, v7;
	_ =	sdelay $0x1  }
0x10c: {  	v8 =	vmul.f32 v8, v6;
	_ =	sdelay $0x1  }
0x10d: {  	v8 =	vsub.f32 $1.500000000e+00, v8  }
0x10e: {  	v4 =	vor.u32 $0x3, v4  }
0x10f: {  	v6 =	vmul.f32 v8, v6;
	_ =	sdelay $0x1  }
0x110: {  	v7 =	vmul.f32 v6, v7;
	_ =	sdelay $0x1  }
0x111: {  	v4 =	vld.idx.msk [tilespmem:v4+s13+$0x0], $0xffff;
	v7 =	vmul.f32 v7, v6;
	_ =	sdelay $0x1  }
0x112: {  	v7 =	vsub.f32 $1.500000000e+00, v7;
	_ =	sdelay $0x1  }
0x113: {  	v6 =	vmul.f32 v7, v6  }
0x114: {  	v4 =	vtrunc.f32 v4  }
0x115: {  	v4 =	vcvt.f32.s32 v4;
	v6 =	vmul.f32 v6, v5;
	_ =	sdelay $0x1  }
0x116: {  	v4 =	vadd.s32 v2, v4;
	v6 =	vadd.f32 $-1.000000000e+00, v6  }
0x117: {  	vm0 =	vgt.f32 v5, $0.0e+00  }
0x118: {  	v5 =	vnsel vm0, $0xBF800000, v6  }
0x119: {  	v5 =	vmul.f32 v5, v5;
	_ =	sdelay $0x1  }
0x11a: {  	[tilespmem:v4+s1+$0x0] =	vst.idx.add.f32.msk $0xffff, v5  }
0x11b: {  	s24 =	sadd.s32 @!p0 $0x1E0, s23;
	s25 =	simm.s32 @!p0 $0x50;
	s26 =	simm.s32 @!p0 $0x21C0;
	[tilespmem:v4+s2+$0x0] =	vst.idx.add.f32.msk $0xffff, v3  }
0x11c: {  	[tilespmem:s26], [sflag:$0x2] =	stream.indirect.gather @!p0 [hbm4b:s3+s25], $0x8, s24, s25, $0xb8;
	[tilespmem:$0xBC40] =	vst v63  }
0x11d: {  	s24 =	simm.s32 $0xA0  }
0x11e: {  	s26 =	sadd.s32 @!p0 $0x1180, s23;
	v4 =	vmov s24;
	s24 =	simm.s32 @!p0 $0x2E40  }
0x11f: {  	[tilespmem:s24], [sflag:$0x7] =	stream.indirect.gather @!p0 [hbm4b:s3+s25], $0x8, s26, s25, $0xb8;
	v4 =	vshll.u32 v4, $0x3;
	[tilespmem:$0xBC40] =	vst v63  }
0x120: {  	_ =	swait.ge [sflag:s9], $0x280;
	v4 =	vor.u32 v1, v4  }
0x121: {  	[sflag:s9] =	ssyncset.done $0x0;
	v5 =	vor.u32 $0x1, v4  }
0x122: {  	[sflag:s9] =	ssyncadd.s32 $0xFFFFFD80  }
0x123: {  	_ =	swait.ge [sflag:s15], $0x280  }
0x124: {  	[sflag:s15] =	ssyncset.done $0x0  }
0x125: {  	v6 =	vor.u32 $0x2, v4;
	[sflag:s15] =	ssyncadd.s32 $0xFFFFFD80  }
0x126: {  	v7 =	vld.idx.msk [tilespmem:v5+s14+$0x0], $0xffff  }
0x127: {  	v5 =	vld.idx.msk [tilespmem:v5+s13+$0x0], $0xffff  }
0x128: {  	v8 =	vld.idx.msk [tilespmem:v4+s14+$0x0], $0xffff  }
0x129: {  	v62 =	vld.idx.msk [tilespmem:v4+s13+$0x0], $0xffff  }
0x12a: {  	v63 =	vld.idx.msk [tilespmem:v6+s14+$0x0], $0xffff  }
0x12b: {  	v6 =	vld.idx.msk [tilespmem:v6+s13+$0x0], $0xffff;
	_ =	sdelay $0x2  }
0x12c: {  	v8 =	vsub.f32 v62, v8;
	v5 =	vsub.f32 v5, v7;
	_ =	sdelay $0x1  }
0x12d: {  	v6 =	vsub.f32 v6, v63;
	v7 =	vmul.f32 v8, v8;
	v5 =	vmul.f32 v5, v5;
	_ =	sdelay $0x1  }
0x12e: {  	v6 =	vmul.f32 v6, v6;
	v5 =	vadd.f32 v5, v7;
	_ =	sdelay $0x1  }
0x12f: {  	v5 =	vadd.f32 v6, v5;
	_ =	sdelay $0x1  }
0x130: {  	v6 =	vshra.s32 v5, $0x1;
	v7 =	vmul.f32 $5.000000000e-01, v5  }
0x131: {  	v6 =	vsub.s32 $0x5F3759DF, v6  }
0x132: {  	v8 =	vmul.f32 v6, v7;
	_ =	sdelay $0x1  }
0x133: {  	v8 =	vmul.f32 v6, v8;
	_ =	sdelay $0x1  }
0x134: {  	v8 =	vsub.f32 $1.500000000e+00, v8;
	_ =	sdelay $0x1  }
0x135: {  	v6 =	vmul.f32 v6, v8;
	_ =	sdelay $0x1  }
0x136: {  	v8 =	vmul.f32 v6, v7;
	_ =	sdelay $0x1  }
0x137: {  	v8 =	vmul.f32 v8, v6;
	_ =	sdelay $0x1  }
0x138: {  	v8 =	vsub.f32 $1.500000000e+00, v8  }
0x139: {  	v4 =	vor.u32 $0x3, v4  }
0x13a: {  	v6 =	vmul.f32 v8, v6;
	_ =	sdelay $0x1  }
0x13b: {  	v7 =	vmul.f32 v6, v7;
	_ =	sdelay $0x1  }
0x13c: {  	v4 =	vld.idx.msk [tilespmem:v4+s13+$0x0], $0xffff;
	v7 =	vmul.f32 v7, v6;
	_ =	sdelay $0x1  }
0x13d: {  	v7 =	vsub.f32 $1.500000000e+00, v7;
	_ =	sdelay $0x1  }
0x13e: {  	v6 =	vmul.f32 v7, v6  }
0x13f: {  	v4 =	vtrunc.f32 v4  }
0x140: {  	s26 =	simm.s32 $0xB0;
	v8 =	vcvt.f32.s32 v4;
	v6 =	vmul.f32 v6, v5  }
0x141: {  	vm15 =	vgt.f32 v5, $0.0e+00;
	v7 =	vmov s26  }
0x142: {  	v4 =	vshll.u32 v7, $0x3;
	v5 =	vadd.s32 v2, v8;
	v6 =	vadd.f32 $-1.000000000e+00, v6  }
0x143: {  	v4 =	vor.u32 v1, v4  }
0x144: {  	v7 =	vnsel vm15, $0xBF800000, v6;
	v6 =	vor.u32 $0x1, v4  }
0x145: {  	s24 =	simm.s32 $0xC0;
	v7 =	vmul.f32 v7, v7  }
.LBB2_10:
0x146: {  	p1 =	sne.s32 s24, $0xE0  }
0x147: {  	[tilespmem:v5+s1+$0x0] =	vst.idx.add.f32.msk $0xffff, v7  }
0x148: {  	v7 =	vor.u32 $0x2, v4;
	[tilespmem:v5+s2+$0x0] =	vst.idx.add.f32.msk $0xffff, v3  }
0x149: {  	v5 =	vld.idx.msk [tilespmem:v6+s14+$0x0], $0xffff  }
0x14a: {  	v6 =	vld.idx.msk [tilespmem:v6+s13+$0x0], $0xffff  }
0x14b: {  	v8 =	vld.idx.msk [tilespmem:v4+s14+$0x0], $0xffff  }
0x14c: {  	v9 =	vld.idx.msk [tilespmem:v4+s13+$0x0], $0xffff  }
0x14d: {  	v10 =	vld.idx.msk [tilespmem:v7+s14+$0x0], $0xffff  }
0x14e: {  	v7 =	vld.idx.msk [tilespmem:v7+s13+$0x0], $0xffff;
	_ =	sdelay $0x3  }
0x14f: {  	v5 =	vsub.f32 v6, v5;
	v8 =	vsub.f32 v9, v8;
	_ =	sdelay $0x1  }
0x150: {  	v5 =	vmul.f32 v5, v5;
	v6 =	vsub.f32 v7, v10;
	v7 =	vmul.f32 v8, v8;
	_ =	sdelay $0x1  }
0x151: {  	v5 =	vadd.f32 v5, v7;
	v6 =	vmul.f32 v6, v6;
	_ =	sdelay $0x1  }
0x152: {  	v6 =	vadd.f32 v6, v5;
	_ =	sdelay $0x1  }
0x153: {  	v5 =	vshra.s32 v6, $0x1;
	v7 =	vmul.f32 $5.000000000e-01, v6  }
0x154: {  	v5 =	vsub.s32 $0x5F3759DF, v5  }
0x155: {  	v8 =	vmul.f32 v5, v7;
	_ =	sdelay $0x1  }
0x156: {  	v8 =	vmul.f32 v5, v8;
	_ =	sdelay $0x1  }
0x157: {  	v8 =	vsub.f32 $1.500000000e+00, v8;
	_ =	sdelay $0x1  }
0x158: {  	v5 =	vmul.f32 v5, v8;
	_ =	sdelay $0x1  }
0x159: {  	v8 =	vmul.f32 v5, v7;
	_ =	sdelay $0x1  }
0x15a: {  	v8 =	vmul.f32 v8, v5;
	_ =	sdelay $0x1  }
0x15b: {  	v4 =	vor.u32 $0x3, v4;
	v8 =	vsub.f32 $1.500000000e+00, v8;
	_ =	sdelay $0x1  }
0x15c: {  	v5 =	vmul.f32 v8, v5;
	_ =	sdelay $0x1  }
0x15d: {  	v7 =	vmul.f32 v5, v7  }
0x15e: {  	v4 =	vld.idx.msk [tilespmem:v4+s13+$0x0], $0xffff  }
0x15f: {  	v7 =	vmul.f32 v7, v5;
	_ =	sdelay $0x1  }
0x160: {  	v7 =	vsub.f32 $1.500000000e+00, v7;
	_ =	sdelay $0x1  }
0x161: {  	v5 =	vmul.f32 v7, v5  }
0x162: {  	v4 =	vtrunc.f32 v4  }
0x163: {  	v5 =	vmul.f32 v5, v6;
	v4 =	vcvt.f32.s32 v4  }
.Ltmp5:
0x164: {  	v7 =	vmov s24;
	(pc) =	sbr.rel @p1 .LBB2_10-.Ltmp5, $4  }
0x165: {  	v7 =	vshll.u32 v7, $0x3;
	v8 =	vadd.f32 $-1.000000000e+00, v5;
	v5 =	vadd.s32 v2, v4  }
0x166: {  	vm0 =	vgt.f32 v6, $0.0e+00;
	v4 =	vor.u32 v1, v7  }
0x167: {  	v6 =	vor.u32 $0x1, v4;
	v7 =	vnsel vm0, $0xBF800000, v8  }
0x168: {  	s24 =	sadd.s32 $0x10, s24;
	v7 =	vmul.f32 v7, v7  }
0x169: {  	_ =	sdelay $0x3  }
0x16a: {  	[tilespmem:v5+s1+$0x0] =	vst.idx.add.f32.msk $0xffff, v7  }
0x16b: {  	v7 =	vor.u32 $0x2, v4;
	[tilespmem:v5+s2+$0x0] =	vst.idx.add.f32.msk $0xffff, v3  }
0x16c: {  	v5 =	vld.idx.msk [tilespmem:v6+s14+$0x0], $0xffff  }
0x16d: {  	v6 =	vld.idx.msk [tilespmem:v6+s13+$0x0], $0xffff  }
0x16e: {  	v8 =	vld.idx.msk [tilespmem:v4+s14+$0x0], $0xffff  }
0x16f: {  	v9 =	vld.idx.msk [tilespmem:v4+s13+$0x0], $0xffff  }
0x170: {  	v10 =	vld.idx.msk [tilespmem:v7+s14+$0x0], $0xffff  }
0x171: {  	v7 =	vld.idx.msk [tilespmem:v7+s13+$0x0], $0xffff;
	_ =	sdelay $0x2  }
0x172: {  	v8 =	vsub.f32 v9, v8;
	v5 =	vsub.f32 v6, v5;
	_ =	sdelay $0x1  }
0x173: {  	v5 =	vmul.f32 v5, v5;
	v6 =	vsub.f32 v7, v10;
	v7 =	vmul.f32 v8, v8;
	_ =	sdelay $0x1  }
0x174: {  	v5 =	vadd.f32 v5, v7;
	v6 =	vmul.f32 v6, v6;
	_ =	sdelay $0x1  }
0x175: {  	v5 =	vadd.f32 v6, v5;
	_ =	sdelay $0x1  }
0x176: {  	v6 =	vshra.s32 v5, $0x1;
	v7 =	vmul.f32 $5.000000000e-01, v5  }
0x177: {  	v6 =	vsub.s32 $0x5F3759DF, v6  }
0x178: {  	v8 =	vmul.f32 v6, v7;
	_ =	sdelay $0x1  }
0x179: {  	v8 =	vmul.f32 v6, v8;
	_ =	sdelay $0x1  }
0x17a: {  	v8 =	vsub.f32 $1.500000000e+00, v8;
	_ =	sdelay $0x1  }
0x17b: {  	v6 =	vmul.f32 v6, v8;
	_ =	sdelay $0x1  }
0x17c: {  	v8 =	vmul.f32 v6, v7;
	_ =	sdelay $0x1  }
0x17d: {  	v8 =	vmul.f32 v8, v6;
	_ =	sdelay $0x1  }
0x17e: {  	v8 =	vsub.f32 $1.500000000e+00, v8  }
0x17f: {  	v4 =	vor.u32 $0x3, v4  }
0x180: {  	v6 =	vmul.f32 v8, v6;
	_ =	sdelay $0x1  }
0x181: {  	v7 =	vmul.f32 v6, v7;
	_ =	sdelay $0x1  }
0x182: {  	v4 =	vld.idx.msk [tilespmem:v4+s13+$0x0], $0xffff;
	v7 =	vmul.f32 v7, v6;
	_ =	sdelay $0x1  }
0x183: {  	v7 =	vsub.f32 $1.500000000e+00, v7;
	_ =	sdelay $0x1  }
0x184: {  	v6 =	vmul.f32 v7, v6  }
0x185: {  	v4 =	vtrunc.f32 v4  }
0x186: {  	v4 =	vcvt.f32.s32 v4;
	v6 =	vmul.f32 v6, v5;
	_ =	sdelay $0x1  }
0x187: {  	v4 =	vadd.s32 v2, v4;
	v6 =	vadd.f32 $-1.000000000e+00, v6  }
0x188: {  	vm0 =	vgt.f32 v5, $0.0e+00  }
0x189: {  	v5 =	vnsel vm0, $0xBF800000, v6  }
0x18a: {  	v5 =	vmul.f32 v5, v5;
	_ =	sdelay $0x1  }
0x18b: {  	[tilespmem:v4+s1+$0x0] =	vst.idx.add.f32.msk $0xffff, v5  }
0x18c: {  	s24 =	sadd.s32 @!p0 $0x230, s23;
	s25 =	simm.s32 @!p0 $0x50;
	s26 =	simm.s32 @!p0 $0x2440;
	[tilespmem:v4+s2+$0x0] =	vst.idx.add.f32.msk $0xffff, v3  }
0x18d: {  	[tilespmem:s26], [sflag:$0x3] =	stream.indirect.gather @!p0 [hbm4b:s3+s25], $0x8, s24, s25, $0xb8;
	[tilespmem:$0xBC40] =	vst v63  }
0x18e: {  	s24 =	simm.s32 $0xF0  }
0x18f: {  	s26 =	sadd.s32 @!p0 $0x11D0, s23;
	v4 =	vmov s24;
	s24 =	simm.s32 @!p0 $0x30C0  }
0x190: {  	[tilespmem:s24], [sflag:$0x8] =	stream.indirect.gather @!p0 [hbm4b:s3+s25], $0x8, s26, s25, $0xb8;
	v4 =	vshll.u32 v4, $0x3;
	[tilespmem:$0xBC40] =	vst v63  }
0x191: {  	_ =	swait.ge [sflag:s16], $0x280;
	v4 =	vor.u32 v1, v4  }
0x192: {  	[sflag:s16] =	ssyncset.done $0x0;
	v5 =	vor.u32 $0x1, v4  }
0x193: {  	[sflag:s16] =	ssyncadd.s32 $0xFFFFFD80  }
0x194: {  	_ =	swait.ge [sflag:s17], $0x280  }
0x195: {  	[sflag:s17] =	ssyncset.done $0x0  }
0x196: {  	v6 =	vor.u32 $0x2, v4;
	[sflag:s17] =	ssyncadd.s32 $0xFFFFFD80  }
0x197: {  	v7 =	vld.idx.msk [tilespmem:v5+s14+$0x0], $0xffff  }
0x198: {  	v5 =	vld.idx.msk [tilespmem:v5+s13+$0x0], $0xffff  }
0x199: {  	v8 =	vld.idx.msk [tilespmem:v4+s14+$0x0], $0xffff  }
0x19a: {  	v62 =	vld.idx.msk [tilespmem:v4+s13+$0x0], $0xffff  }
0x19b: {  	v63 =	vld.idx.msk [tilespmem:v6+s14+$0x0], $0xffff  }
0x19c: {  	v6 =	vld.idx.msk [tilespmem:v6+s13+$0x0], $0xffff;
	_ =	sdelay $0x2  }
0x19d: {  	v8 =	vsub.f32 v62, v8;
	v5 =	vsub.f32 v5, v7;
	_ =	sdelay $0x1  }
0x19e: {  	v6 =	vsub.f32 v6, v63;
	v7 =	vmul.f32 v8, v8;
	v5 =	vmul.f32 v5, v5;
	_ =	sdelay $0x1  }
0x19f: {  	v6 =	vmul.f32 v6, v6;
	v5 =	vadd.f32 v5, v7;
	_ =	sdelay $0x1  }
0x1a0: {  	v5 =	vadd.f32 v6, v5;
	_ =	sdelay $0x1  }
0x1a1: {  	v6 =	vshra.s32 v5, $0x1;
	v7 =	vmul.f32 $5.000000000e-01, v5  }
0x1a2: {  	v6 =	vsub.s32 $0x5F3759DF, v6  }
0x1a3: {  	v8 =	vmul.f32 v6, v7;
	_ =	sdelay $0x1  }
0x1a4: {  	v8 =	vmul.f32 v6, v8;
	_ =	sdelay $0x1  }
0x1a5: {  	v8 =	vsub.f32 $1.500000000e+00, v8;
	_ =	sdelay $0x1  }
0x1a6: {  	v6 =	vmul.f32 v6, v8;
	_ =	sdelay $0x1  }
0x1a7: {  	v8 =	vmul.f32 v6, v7;
	_ =	sdelay $0x1  }
0x1a8: {  	v8 =	vmul.f32 v8, v6;
	_ =	sdelay $0x1  }
0x1a9: {  	v8 =	vsub.f32 $1.500000000e+00, v8  }
0x1aa: {  	v4 =	vor.u32 $0x3, v4  }
0x1ab: {  	v6 =	vmul.f32 v8, v6;
	_ =	sdelay $0x1  }
0x1ac: {  	v7 =	vmul.f32 v6, v7;
	_ =	sdelay $0x1  }
0x1ad: {  	v4 =	vld.idx.msk [tilespmem:v4+s13+$0x0], $0xffff;
	v7 =	vmul.f32 v7, v6;
	_ =	sdelay $0x1  }
0x1ae: {  	v7 =	vsub.f32 $1.500000000e+00, v7;
	_ =	sdelay $0x1  }
0x1af: {  	v6 =	vmul.f32 v7, v6  }
0x1b0: {  	v4 =	vtrunc.f32 v4  }
0x1b1: {  	s26 =	simm.s32 $0x100;
	v8 =	vcvt.f32.s32 v4;
	v6 =	vmul.f32 v6, v5  }
0x1b2: {  	vm15 =	vgt.f32 v5, $0.0e+00;
	v7 =	vmov s26  }
0x1b3: {  	v4 =	vshll.u32 v7, $0x3;
	v5 =	vadd.s32 v2, v8;
	v6 =	vadd.f32 $-1.000000000e+00, v6  }
0x1b4: {  	v4 =	vor.u32 v1, v4  }
0x1b5: {  	v7 =	vnsel vm15, $0xBF800000, v6;
	v6 =	vor.u32 $0x1, v4  }
0x1b6: {  	s24 =	simm.s32 $0x110;
	v7 =	vmul.f32 v7, v7  }
.LBB2_12:
0x1b7: {  	p1 =	sne.s32 s24, $0x130  }
0x1b8: {  	[tilespmem:v5+s1+$0x0] =	vst.idx.add.f32.msk $0xffff, v7  }
0x1b9: {  	v7 =	vor.u32 $0x2, v4;
	[tilespmem:v5+s2+$0x0] =	vst.idx.add.f32.msk $0xffff, v3  }
0x1ba: {  	v5 =	vld.idx.msk [tilespmem:v6+s14+$0x0], $0xffff  }
0x1bb: {  	v6 =	vld.idx.msk [tilespmem:v6+s13+$0x0], $0xffff  }
0x1bc: {  	v8 =	vld.idx.msk [tilespmem:v4+s14+$0x0], $0xffff  }
0x1bd: {  	v9 =	vld.idx.msk [tilespmem:v4+s13+$0x0], $0xffff  }
0x1be: {  	v10 =	vld.idx.msk [tilespmem:v7+s14+$0x0], $0xffff  }
0x1bf: {  	v7 =	vld.idx.msk [tilespmem:v7+s13+$0x0], $0xffff;
	_ =	sdelay $0x3  }
0x1c0: {  	v5 =	vsub.f32 v6, v5;
	v8 =	vsub.f32 v9, v8;
	_ =	sdelay $0x1  }
0x1c1: {  	v5 =	vmul.f32 v5, v5;
	v6 =	vsub.f32 v7, v10;
	v7 =	vmul.f32 v8, v8;
	_ =	sdelay $0x1  }
0x1c2: {  	v5 =	vadd.f32 v5, v7;
	v6 =	vmul.f32 v6, v6;
	_ =	sdelay $0x1  }
0x1c3: {  	v6 =	vadd.f32 v6, v5;
	_ =	sdelay $0x1  }
0x1c4: {  	v5 =	vshra.s32 v6, $0x1;
	v7 =	vmul.f32 $5.000000000e-01, v6  }
0x1c5: {  	v5 =	vsub.s32 $0x5F3759DF, v5  }
0x1c6: {  	v8 =	vmul.f32 v5, v7;
	_ =	sdelay $0x1  }
0x1c7: {  	v8 =	vmul.f32 v5, v8;
	_ =	sdelay $0x1  }
0x1c8: {  	v8 =	vsub.f32 $1.500000000e+00, v8;
	_ =	sdelay $0x1  }
0x1c9: {  	v5 =	vmul.f32 v5, v8;
	_ =	sdelay $0x1  }
0x1ca: {  	v8 =	vmul.f32 v5, v7;
	_ =	sdelay $0x1  }
0x1cb: {  	v8 =	vmul.f32 v8, v5;
	_ =	sdelay $0x1  }
0x1cc: {  	v4 =	vor.u32 $0x3, v4;
	v8 =	vsub.f32 $1.500000000e+00, v8;
	_ =	sdelay $0x1  }
0x1cd: {  	v5 =	vmul.f32 v8, v5;
	_ =	sdelay $0x1  }
0x1ce: {  	v7 =	vmul.f32 v5, v7  }
0x1cf: {  	v4 =	vld.idx.msk [tilespmem:v4+s13+$0x0], $0xffff  }
0x1d0: {  	v7 =	vmul.f32 v7, v5;
	_ =	sdelay $0x1  }
0x1d1: {  	v7 =	vsub.f32 $1.500000000e+00, v7;
	_ =	sdelay $0x1  }
0x1d2: {  	v5 =	vmul.f32 v7, v5  }
0x1d3: {  	v4 =	vtrunc.f32 v4  }
0x1d4: {  	v5 =	vmul.f32 v5, v6;
	v4 =	vcvt.f32.s32 v4  }
.Ltmp6:
0x1d5: {  	v7 =	vmov s24;
	(pc) =	sbr.rel @p1 .LBB2_12-.Ltmp6, $4  }
0x1d6: {  	v7 =	vshll.u32 v7, $0x3;
	v8 =	vadd.f32 $-1.000000000e+00, v5;
	v5 =	vadd.s32 v2, v4  }
0x1d7: {  	vm0 =	vgt.f32 v6, $0.0e+00;
	v4 =	vor.u32 v1, v7  }
0x1d8: {  	v6 =	vor.u32 $0x1, v4;
	v7 =	vnsel vm0, $0xBF800000, v8  }
0x1d9: {  	s24 =	sadd.s32 $0x10, s24;
	v7 =	vmul.f32 v7, v7  }
0x1da: {  	_ =	sdelay $0x3  }
0x1db: {  	[tilespmem:v5+s1+$0x0] =	vst.idx.add.f32.msk $0xffff, v7  }
0x1dc: {  	v7 =	vor.u32 $0x2, v4;
	[tilespmem:v5+s2+$0x0] =	vst.idx.add.f32.msk $0xffff, v3  }
0x1dd: {  	v5 =	vld.idx.msk [tilespmem:v6+s14+$0x0], $0xffff  }
0x1de: {  	v6 =	vld.idx.msk [tilespmem:v6+s13+$0x0], $0xffff  }
0x1df: {  	v8 =	vld.idx.msk [tilespmem:v4+s14+$0x0], $0xffff  }
0x1e0: {  	v9 =	vld.idx.msk [tilespmem:v4+s13+$0x0], $0xffff  }
0x1e1: {  	v10 =	vld.idx.msk [tilespmem:v7+s14+$0x0], $0xffff  }
0x1e2: {  	v7 =	vld.idx.msk [tilespmem:v7+s13+$0x0], $0xffff;
	_ =	sdelay $0x2  }
0x1e3: {  	v8 =	vsub.f32 v9, v8;
	v5 =	vsub.f32 v6, v5;
	_ =	sdelay $0x1  }
0x1e4: {  	v5 =	vmul.f32 v5, v5;
	v6 =	vsub.f32 v7, v10;
	v7 =	vmul.f32 v8, v8;
	_ =	sdelay $0x1  }
0x1e5: {  	v5 =	vadd.f32 v5, v7;
	v6 =	vmul.f32 v6, v6;
	_ =	sdelay $0x1  }
0x1e6: {  	v5 =	vadd.f32 v6, v5;
	_ =	sdelay $0x1  }
0x1e7: {  	v6 =	vshra.s32 v5, $0x1;
	v7 =	vmul.f32 $5.000000000e-01, v5  }
0x1e8: {  	v6 =	vsub.s32 $0x5F3759DF, v6  }
0x1e9: {  	v8 =	vmul.f32 v6, v7;
	_ =	sdelay $0x1  }
0x1ea: {  	v8 =	vmul.f32 v6, v8;
	_ =	sdelay $0x1  }
0x1eb: {  	v8 =	vsub.f32 $1.500000000e+00, v8;
	_ =	sdelay $0x1  }
0x1ec: {  	v6 =	vmul.f32 v6, v8;
	_ =	sdelay $0x1  }
0x1ed: {  	v8 =	vmul.f32 v6, v7;
	_ =	sdelay $0x1  }
0x1ee: {  	v8 =	vmul.f32 v8, v6;
	_ =	sdelay $0x1  }
0x1ef: {  	v8 =	vsub.f32 $1.500000000e+00, v8  }
0x1f0: {  	v4 =	vor.u32 $0x3, v4  }
0x1f1: {  	v6 =	vmul.f32 v8, v6;
	_ =	sdelay $0x1  }
0x1f2: {  	v7 =	vmul.f32 v6, v7;
	_ =	sdelay $0x1  }
0x1f3: {  	v4 =	vld.idx.msk [tilespmem:v4+s13+$0x0], $0xffff;
	v7 =	vmul.f32 v7, v6;
	_ =	sdelay $0x1  }
0x1f4: {  	v7 =	vsub.f32 $1.500000000e+00, v7;
	_ =	sdelay $0x1  }
0x1f5: {  	v6 =	vmul.f32 v7, v6  }
0x1f6: {  	v4 =	vtrunc.f32 v4  }
0x1f7: {  	v4 =	vcvt.f32.s32 v4;
	v6 =	vmul.f32 v6, v5;
	_ =	sdelay $0x1  }
0x1f8: {  	v4 =	vadd.s32 v2, v4;
	v6 =	vadd.f32 $-1.000000000e+00, v6  }
0x1f9: {  	vm0 =	vgt.f32 v5, $0.0e+00  }
0x1fa: {  	v5 =	vnsel vm0, $0xBF800000, v6  }
0x1fb: {  	v5 =	vmul.f32 v5, v5;
	_ =	sdelay $0x1  }
0x1fc: {  	[tilespmem:v4+s1+$0x0] =	vst.idx.add.f32.msk $0xffff, v5  }
0x1fd: {  	s24 =	sadd.s32 @!p0 $0x280, s23;
	s25 =	simm.s32 @!p0 $0x50;
	s26 =	simm.s32 @!p0 $0x26C0;
	[tilespmem:v4+s2+$0x0] =	vst.idx.add.f32.msk $0xffff, v3  }
0x1fe: {  	[tilespmem:s26], [sflag:$0x4] =	stream.indirect.gather @!p0 [hbm4b:s3+s25], $0x8, s24, s25, $0xb8;
	[tilespmem:$0xBC40] =	vst v63  }
0x1ff: {  	s24 =	simm.s32 $0x140  }
0x200: {  	s23 =	sadd.s32 @!p0 $0x1220, s23;
	s26 =	simm.s32 @!p0 $0x3340;
	v4 =	vmov s24  }
0x201: {  	[tilespmem:s26], [sflag:$0x9] =	stream.indirect.gather @!p0 [hbm4b:s3+s25], $0x8, s23, s25, $0xb8;
	v4 =	vshll.u32 v4, $0x3;
	[tilespmem:$0xBC40] =	vst v63  }
0x202: {  	_ =	swait.ge [sflag:s18], $0x280;
	v4 =	vor.u32 v1, v4  }
0x203: {  	[sflag:s18] =	ssyncset.done $0x0;
	v5 =	vor.u32 $0x1, v4  }
0x204: {  	[sflag:s18] =	ssyncadd.s32 $0xFFFFFD80  }
0x205: {  	_ =	swait.ge [sflag:s19], $0x280  }
0x206: {  	[sflag:s19] =	ssyncset.done $0x0  }
0x207: {  	v6 =	vor.u32 $0x2, v4;
	[sflag:s19] =	ssyncadd.s32 $0xFFFFFD80  }
0x208: {  	v7 =	vld.idx.msk [tilespmem:v5+s14+$0x0], $0xffff  }
0x209: {  	v5 =	vld.idx.msk [tilespmem:v5+s13+$0x0], $0xffff  }
0x20a: {  	v8 =	vld.idx.msk [tilespmem:v4+s14+$0x0], $0xffff  }
0x20b: {  	v62 =	vld.idx.msk [tilespmem:v4+s13+$0x0], $0xffff  }
0x20c: {  	v63 =	vld.idx.msk [tilespmem:v6+s14+$0x0], $0xffff  }
0x20d: {  	v6 =	vld.idx.msk [tilespmem:v6+s13+$0x0], $0xffff;
	_ =	sdelay $0x2  }
0x20e: {  	v8 =	vsub.f32 v62, v8;
	v5 =	vsub.f32 v5, v7;
	_ =	sdelay $0x1  }
0x20f: {  	v6 =	vsub.f32 v6, v63;
	v7 =	vmul.f32 v8, v8;
	v5 =	vmul.f32 v5, v5;
	_ =	sdelay $0x1  }
0x210: {  	v6 =	vmul.f32 v6, v6;
	v5 =	vadd.f32 v5, v7;
	_ =	sdelay $0x1  }
0x211: {  	v5 =	vadd.f32 v6, v5;
	_ =	sdelay $0x1  }
0x212: {  	v6 =	vshra.s32 v5, $0x1;
	v7 =	vmul.f32 $5.000000000e-01, v5  }
0x213: {  	v6 =	vsub.s32 $0x5F3759DF, v6  }
0x214: {  	v8 =	vmul.f32 v6, v7;
	_ =	sdelay $0x1  }
0x215: {  	v8 =	vmul.f32 v6, v8;
	_ =	sdelay $0x1  }
0x216: {  	v8 =	vsub.f32 $1.500000000e+00, v8;
	_ =	sdelay $0x1  }
0x217: {  	v6 =	vmul.f32 v6, v8;
	_ =	sdelay $0x1  }
0x218: {  	v8 =	vmul.f32 v6, v7;
	_ =	sdelay $0x1  }
0x219: {  	v8 =	vmul.f32 v8, v6;
	_ =	sdelay $0x1  }
0x21a: {  	v8 =	vsub.f32 $1.500000000e+00, v8  }
0x21b: {  	v4 =	vor.u32 $0x3, v4  }
0x21c: {  	v6 =	vmul.f32 v8, v6;
	_ =	sdelay $0x1  }
0x21d: {  	v7 =	vmul.f32 v6, v7;
	_ =	sdelay $0x1  }
0x21e: {  	v4 =	vld.idx.msk [tilespmem:v4+s13+$0x0], $0xffff;
	v7 =	vmul.f32 v7, v6;
	_ =	sdelay $0x1  }
0x21f: {  	v7 =	vsub.f32 $1.500000000e+00, v7;
	_ =	sdelay $0x1  }
0x220: {  	v6 =	vmul.f32 v7, v6  }
0x221: {  	v4 =	vtrunc.f32 v4  }
0x222: {  	s26 =	simm.s32 $0x150;
	v8 =	vcvt.f32.s32 v4;
	v6 =	vmul.f32 v6, v5  }
0x223: {  	vm15 =	vgt.f32 v5, $0.0e+00;
	v7 =	vmov s26  }
0x224: {  	v4 =	vshll.u32 v7, $0x3;
	v5 =	vadd.s32 v2, v8;
	v6 =	vadd.f32 $-1.000000000e+00, v6  }
0x225: {  	v4 =	vor.u32 v1, v4  }
0x226: {  	v7 =	vnsel vm15, $0xBF800000, v6;
	v6 =	vor.u32 $0x1, v4  }
0x227: {  	s23 =	simm.s32 $0x160;
	v7 =	vmul.f32 v7, v7  }
.LBB2_14:
0x228: {  	p1 =	sne.s32 s23, $0x180  }
0x229: {  	[tilespmem:v5+s1+$0x0] =	vst.idx.add.f32.msk $0xffff, v7  }
0x22a: {  	v7 =	vor.u32 $0x2, v4;
	[tilespmem:v5+s2+$0x0] =	vst.idx.add.f32.msk $0xffff, v3  }
0x22b: {  	v5 =	vld.idx.msk [tilespmem:v6+s14+$0x0], $0xffff  }
0x22c: {  	v6 =	vld.idx.msk [tilespmem:v6+s13+$0x0], $0xffff  }
0x22d: {  	v8 =	vld.idx.msk [tilespmem:v4+s14+$0x0], $0xffff  }
0x22e: {  	v9 =	vld.idx.msk [tilespmem:v4+s13+$0x0], $0xffff  }
0x22f: {  	v10 =	vld.idx.msk [tilespmem:v7+s14+$0x0], $0xffff  }
0x230: {  	v7 =	vld.idx.msk [tilespmem:v7+s13+$0x0], $0xffff;
	_ =	sdelay $0x3  }
0x231: {  	v5 =	vsub.f32 v6, v5;
	v8 =	vsub.f32 v9, v8;
	_ =	sdelay $0x1  }
0x232: {  	v5 =	vmul.f32 v5, v5;
	v6 =	vsub.f32 v7, v10;
	v7 =	vmul.f32 v8, v8;
	_ =	sdelay $0x1  }
0x233: {  	v5 =	vadd.f32 v5, v7;
	v6 =	vmul.f32 v6, v6;
	_ =	sdelay $0x1  }
0x234: {  	v6 =	vadd.f32 v6, v5;
	_ =	sdelay $0x1  }
0x235: {  	v5 =	vshra.s32 v6, $0x1;
	v7 =	vmul.f32 $5.000000000e-01, v6  }
0x236: {  	v5 =	vsub.s32 $0x5F3759DF, v5  }
0x237: {  	v8 =	vmul.f32 v5, v7;
	_ =	sdelay $0x1  }
0x238: {  	v8 =	vmul.f32 v5, v8;
	_ =	sdelay $0x1  }
0x239: {  	v8 =	vsub.f32 $1.500000000e+00, v8;
	_ =	sdelay $0x1  }
0x23a: {  	v5 =	vmul.f32 v5, v8;
	_ =	sdelay $0x1  }
0x23b: {  	v8 =	vmul.f32 v5, v7;
	_ =	sdelay $0x1  }
0x23c: {  	v8 =	vmul.f32 v8, v5;
	_ =	sdelay $0x1  }
0x23d: {  	v4 =	vor.u32 $0x3, v4;
	v8 =	vsub.f32 $1.500000000e+00, v8;
	_ =	sdelay $0x1  }
0x23e: {  	v5 =	vmul.f32 v8, v5;
	_ =	sdelay $0x1  }
0x23f: {  	v7 =	vmul.f32 v5, v7  }
0x240: {  	v4 =	vld.idx.msk [tilespmem:v4+s13+$0x0], $0xffff  }
0x241: {  	v7 =	vmul.f32 v7, v5;
	_ =	sdelay $0x1  }
0x242: {  	v7 =	vsub.f32 $1.500000000e+00, v7;
	_ =	sdelay $0x1  }
0x243: {  	v5 =	vmul.f32 v7, v5  }
0x244: {  	v4 =	vtrunc.f32 v4  }
0x245: {  	v5 =	vmul.f32 v5, v6;
	v4 =	vcvt.f32.s32 v4  }
.Ltmp7:
0x246: {  	v7 =	vmov s23;
	(pc) =	sbr.rel @p1 .LBB2_14-.Ltmp7, $4  }
0x247: {  	v7 =	vshll.u32 v7, $0x3;
	v8 =	vadd.f32 $-1.000000000e+00, v5;
	v5 =	vadd.s32 v2, v4  }
0x248: {  	vm0 =	vgt.f32 v6, $0.0e+00;
	v4 =	vor.u32 v1, v7  }
0x249: {  	v6 =	vor.u32 $0x1, v4;
	v7 =	vnsel vm0, $0xBF800000, v8  }
0x24a: {  	s23 =	sadd.s32 $0x10, s23;
	v7 =	vmul.f32 v7, v7  }
0x24b: {  	_ =	sdelay $0x3  }
0x24c: {  	[tilespmem:v5+s1+$0x0] =	vst.idx.add.f32.msk $0xffff, v7  }
0x24d: {  	v58 =	vor.u32 $0x2, v4;
	[tilespmem:v5+s2+$0x0] =	vst.idx.add.f32.msk $0xffff, v3  }
0x24e: {  	v5 =	vld.idx.msk [tilespmem:v6+s14+$0x0], $0xffff  }
0x24f: {  	v59 =	vld.idx.msk [tilespmem:v6+s13+$0x0], $0xffff  }
0x250: {  	v8 =	vld.idx.msk [tilespmem:v4+s14+$0x0], $0xffff  }
0x251: {  	v9 =	vld.idx.msk [tilespmem:v4+s13+$0x0], $0xffff  }
0x252: {  	v10 =	vld.idx.msk [tilespmem:v58+s14+$0x0], $0xffff  }
0x253: {  	v7 =	vld.idx.msk [tilespmem:v58+s13+$0x0], $0xffff;
	_ =	sdelay $0x2  }
0x254: {  	v8 =	vsub.f32 v9, v8;
	v5 =	vsub.f32 v59, v5;
	_ =	sdelay $0x1  }
0x255: {  	v60 =	vsub.f32 v7, v10;
	v61 =	vmul.f32 v8, v8;
	v5 =	vmul.f32 v5, v5;
	_ =	sdelay $0x1  }
0x256: {  	v5 =	vadd.f32 v5, v61;
	v6 =	vmul.f32 v60, v60;
	_ =	sdelay $0x1  }
0x257: {  	v5 =	vadd.f32 v6, v5;
	_ =	sdelay $0x1  }
0x258: {  	v6 =	vshra.s32 v5, $0x1;
	v62 =	vmul.f32 $5.000000000e-01, v5  }
0x259: {  	v6 =	vsub.s32 $0x5F3759DF, v6  }
0x25a: {  	v63 =	vmul.f32 v6, v62;
	_ =	sdelay $0x1  }
0x25b: {  	v8 =	vmul.f32 v6, v63;
	_ =	sdelay $0x1  }
0x25c: {  	v8 =	vsub.f32 $1.500000000e+00, v8;
	_ =	sdelay $0x1  }
0x25d: {  	v6 =	vmul.f32 v6, v8;
	_ =	sdelay $0x1  }
0x25e: {  	v8 =	vmul.f32 v6, v62;
	_ =	sdelay $0x1  }
0x25f: {  	v8 =	vmul.f32 v8, v6;
	_ =	sdelay $0x1  }
0x260: {  	v8 =	vsub.f32 $1.500000000e+00, v8  }
0x261: {  	v4 =	vor.u32 $0x3, v4  }
0x262: {  	v6 =	vmul.f32 v8, v6;
	_ =	sdelay $0x1  }
0x263: {  	v7 =	vmul.f32 v6, v62;
	_ =	sdelay $0x1  }
0x264: {  	v4 =	vld.idx.msk [tilespmem:v4+s13+$0x0], $0xffff;
	v7 =	vmul.f32 v7, v6;
	_ =	sdelay $0x1  }
0x265: {  	v7 =	vsub.f32 $1.500000000e+00, v7;
	_ =	sdelay $0x1  }
0x266: {  	v6 =	vmul.f32 v7, v6  }
0x267: {  	v4 =	vtrunc.f32 v4  }
0x268: {  	v4 =	vcvt.f32.s32 v4;
	v6 =	vmul.f32 v6, v5;
	_ =	sdelay $0x1  }
0x269: {  	v4 =	vadd.s32 v2, v4;
	v6 =	vadd.f32 $-1.000000000e+00, v6  }
0x26a: {  	vm0 =	vgt.f32 v5, $0.0e+00  }
.Ltmp8:
0x26b: {  	v5 =	vnsel vm0, $0xBF800000, v6;
	(pc) =	sbr.rel @p0 .LBB2_17-.Ltmp8, $3  }
0x26c: {  	v5 =	vmul.f32 v5, v5;
	_ =	sdelay $0x1  }
0x26d: {  	[tilespmem:v4+s1+$0x0] =	vst.idx.add.f32.msk $0xffff, v5  }
0x26e: {  	[tilespmem:v4+s2+$0x0] =	vst.idx.add.f32.msk $0xffff, v3  }
0x26f: {  	s23 =	smul.u32 $0x190, s22  }
.Ltmp9:
0x270: {  	_ = 	snop;
	(pc) =	sbr.rel .LBB2_5-.Ltmp9, $4  }
0x271: {  	s24 =	sadd.s32 $0x2D0, s23  }
0x272: {  	[tilespmem:s28], [sflag:$0x5] =	stream.indirect.gather [hbm4b:s3+s12], $0x8, s24, s12, $0xb8;
	[tilespmem:$0xBC40] =	vst v63  }
0x273: {  	s22 =	sadd.s32 $0x1, s22;
	s23 =	sadd.s32 $0x1270, s23  }
0x274: {  	[tilespmem:s30], [sflag:$0xA] =	stream.indirect.gather [hbm4b:s3+s12], $0x8, s23, s12, $0xb8;
	[tilespmem:$0xBC40] =	vst v63  }
.LBB2_18:
0x275: {  	s21 =	simm.s32 $0x0  }
0x276: {  	v4 =	vld [tilespmem:s21+$0x3840]  }
0x277: {  	v5 =	vld [tilespmem:s21+$0x3C40];
	_ =	sdelay $0x1  }
0x278: {  	v6 =	vld [tilespmem:s21+$0x4040];
	_ =	sdelay $0x1  }
0x279: {  	v7 =	vld [tilespmem:s21+$0x4440]  }
0x27a: {  	v4 =	vadd.f32 v5, v4  }
0x27b: {  	v5 =	vld [tilespmem:s21+$0x4840]  }
0x27c: {  	v4 =	vadd.f32 v6, v4  }
0x27d: {  	v6 =	vld [tilespmem:s21+$0x4C40]  }
0x27e: {  	v4 =	vadd.f32 v7, v4  }
0x27f: {  	v7 =	vld [tilespmem:s21+$0x5040]  }
0x280: {  	v4 =	vadd.f32 v5, v4  }
0x281: {  	v5 =	vld [tilespmem:s21+$0x5440]  }
0x282: {  	s20 =	simm.s32 $0x10;
	v8 =	vld [tilespmem:s21+$0x5840];
	v4 =	vadd.f32 v6, v4  }
0x283: {  	v9 =	vld [tilespmem:s20+$0x3840]  }
0x284: {  	v6 =	vld [tilespmem:s21+$0x5C40];
	v4 =	vadd.f32 v7, v4  }
0x285: {  	v7 =	vld [tilespmem:s20+$0x3C40]  }
0x286: {  	v10 =	vld [tilespmem:s20+$0x4040];
	v4 =	vadd.f32 v5, v4  }
0x287: {  	v5 =	vld [tilespmem:s21+$0x6040]  }
0x288: {  	v11 =	vld [tilespmem:s20+$0x4440];
	v4 =	vadd.f32 v8, v4  }
0x289: {  	v8 =	vld [tilespmem:s21+$0x6440]  }
0x28a: {  	v7 =	vadd.f32 v7, v9;
	v9 =	vld [tilespmem:s20+$0x4840];
	v4 =	vadd.f32 v6, v4  }
0x28b: {  	v6 =	vld [tilespmem:s21+$0x6840]  }
0x28c: {  	v7 =	vadd.f32 v10, v7;
	v10 =	vld [tilespmem:s20+$0x4C40];
	v4 =	vadd.f32 v5, v4  }
0x28d: {  	v5 =	vld [tilespmem:s21+$0x6C40]  }
0x28e: {  	v12 =	vld [tilespmem:s20+$0x5040];
	v7 =	vadd.f32 v11, v7;
	v4 =	vadd.f32 v8, v4  }
0x28f: {  	v11 =	vld [tilespmem:s21+$0x7040]  }
0x290: {  	v8 =	vadd.f32 v9, v7;
	v7 =	vld [tilespmem:s20+$0x5440];
	v9 =	vadd.f32 v6, v4  }
0x291: {  	v6 =	vld [tilespmem:s21+$0x7440]  }
0x292: {  	v4 =	vld [tilespmem:s20+$0x5C40];
	v10 =	vadd.f32 v10, v8;
	v13 =	vadd.f32 v5, v9  }
0x293: {  	s22 =	simm.s32 $0x20;
	v8 =	vld [tilespmem:s20+$0x5840]  }
0x294: {  	s23 =	simm.s32 $0xC0;
	v5 =	vld [tilespmem:s22+$0x3840];
	v9 =	vadd.f32 v12, v10;
	v10 =	vadd.f32 v11, v13  }
.LBB2_19:
0x295: {  	p0 =	sne.s32 s23, $0xFC0;
	v11 =	vld [tilespmem:s22+$0x3C40]  }
0x296: {  	v7 =	vadd.f32 v7, v9;
	v9 =	vld [tilespmem:s20+$0x6040];
	v6 =	vadd.f32 v6, v10  }
0x297: {  	v10 =	vld [tilespmem:s22+$0x4040]  }
0x298: {  	v7 =	vadd.f32 v8, v7;
	v8 =	vld [tilespmem:s20+$0x6440];
	[tilespmem:s21+$0xB840] =	vst v6;
	s21 =	smov.u32 s20;
	s20 =	smov.u32 s22  }
0x299: {  	v6 =	vld [tilespmem:s20+$0x4440]  }
0x29a: {  	v5 =	vadd.f32 v11, v5;
	v4 =	vadd.f32 v4, v7;
	v7 =	vld [tilespmem:s21+$0x6840]  }
0x29b: {  	v11 =	vld [tilespmem:s20+$0x4840]  }
0x29c: {  	v5 =	vadd.f32 v10, v5;
	v4 =	vadd.f32 v9, v4;
	v9 =	vld [tilespmem:s21+$0x6C40]  }
0x29d: {  	v10 =	vld [tilespmem:s20+$0x4C40]  }
0x29e: {  	v5 =	vadd.f32 v6, v5;
	v4 =	vadd.f32 v8, v4;
	v12 =	vld [tilespmem:s21+$0x7040]  }
0x29f: {  	v13 =	vld [tilespmem:s20+$0x5040]  }
.Ltmp10:
0x2a0: {  	v5 =	vadd.f32 v11, v5;
	v8 =	vadd.f32 v7, v4;
	v6 =	vld [tilespmem:s21+$0x7440];
	(pc) =	sbr.rel @p0 .LBB2_19-.Ltmp10, $4  }
0x2a1: {  	v7 =	vld [tilespmem:s20+$0x5440]  }
0x2a2: {  	v10 =	vadd.f32 v10, v5;
	v4 =	vld [tilespmem:s20+$0x5C40];
	v11 =	vadd.f32 v9, v8  }
0x2a3: {  	s22 =	sshra.s32 s23, $0x2;
	v8 =	vld [tilespmem:s20+$0x5840]  }
0x2a4: {  	s23 =	sadd.s32 $0x40, s23;
	v5 =	vld [tilespmem:s22+$0x3840];
	v9 =	vadd.f32 v13, v10;
	v10 =	vadd.f32 v12, v11  }
0x2a5: {  	v11 =	vld [tilespmem:s22+$0x3C40]  }
0x2a6: {  	v12 =	vld [tilespmem:s20+$0x6040];
	v6 =	vadd.f32 v6, v10  }
0x2a7: {  	v10 =	vld [tilespmem:s22+$0x4040]  }
0x2a8: {  	v13 =	vld [tilespmem:s20+$0x6440];
	v7 =	vadd.f32 v7, v9;
	[tilespmem:s21+$0xB840] =	vst v6  }
0x2a9: {  	v6 =	vld [tilespmem:s22+$0x4440]  }
0x2aa: {  	v7 =	vadd.f32 v8, v7;
	v5 =	vadd.f32 v11, v5  }
0x2ab: {  	v8 =	vld [tilespmem:s22+$0x4840]  }
0x2ac: {  	v9 =	vld [tilespmem:s22+$0x4C40];
	v4 =	vadd.f32 v4, v7;
	v5 =	vadd.f32 v10, v5  }
0x2ad: {  	v7 =	vld [tilespmem:s20+$0x6840]  }
0x2ae: {  	v4 =	vadd.f32 v12, v4;
	v10 =	vld [tilespmem:s20+$0x6C40];
	v5 =	vadd.f32 v6, v5  }
0x2af: {  	v6 =	vld [tilespmem:s22+$0x5040]  }
0x2b0: {  	v11 =	vld [tilespmem:s20+$0x7040];
	v4 =	vadd.f32 v13, v4;
	v5 =	vadd.f32 v8, v5  }
0x2b1: {  	v8 =	vld [tilespmem:s22+$0x5440]  }
0x2b2: {  	v4 =	vadd.f32 v7, v4;
	v7 =	vld [tilespmem:s20+$0x7440];
	v5 =	vadd.f32 v9, v5  }
0x2b3: {  	v9 =	vld [tilespmem:s22+$0x5840]  }
0x2b4: {  	v4 =	vadd.f32 v10, v4;
	v5 =	vadd.f32 v6, v5  }
0x2b5: {  	v6 =	vld [tilespmem:s22+$0x5C40]  }
0x2b6: {  	v4 =	vadd.f32 v11, v4;
	v5 =	vadd.f32 v8, v5  }
0x2b7: {  	v8 =	vld [tilespmem:s22+$0x6040]  }
0x2b8: {  	v4 =	vadd.f32 v7, v4;
	v5 =	vadd.f32 v9, v5  }
0x2b9: {  	v7 =	vld [tilespmem:s22+$0x6440]  }
0x2ba: {  	[tilespmem:s20+$0xB840] =	vst v4;
	v4 =	vadd.f32 v6, v5  }
0x2bb: {  	v5 =	vld [tilespmem:s22+$0x6840]  }
0x2bc: {  	v4 =	vadd.f32 v8, v4  }
0x2bd: {  	v6 =	vld [tilespmem:s22+$0x6C40]  }
0x2be: {  	v4 =	vadd.f32 v7, v4  }
0x2bf: {  	v7 =	vld [tilespmem:s22+$0x7040]  }
0x2c0: {  	v4 =	vadd.f32 v5, v4  }
0x2c1: {  	v5 =	vld [tilespmem:s22+$0x7440]  }
0x2c2: {  	v4 =	vadd.f32 v6, v4;
	_ =	sdelay $0x1  }
0x2c3: {  	v4 =	vadd.f32 v7, v4;
	_ =	sdelay $0x1  }
0x2c4: {  	v4 =	vadd.f32 v5, v4;
	_ =	sdelay $0x1  }
0x2c5: {  	s25 =	simm.s32 $0x0;
	s26 =	rddreg [dreg:$0x2];
	s24 =	simm.s32 $0xB840;
	[tilespmem:s22+$0xB840] =	vst v4  }
0x2c6: {  	[hbm4b:s26+s25] =	stream.linear.scatter [tilespmem:s24], [sflag:$0xB], $0x400, $0x38;
	[tilespmem:$0xBC40] =	vst v63  }
0x2c7: {  	_ =	swait.ge [sflag:s10], $0x400  }
0x2c8: {  	[sflag:s10] =	ssyncset.done $0x0  }
0x2c9: {  	s21 =	simm.s32 $0x0;
	[sflag:s10] =	ssyncadd.s32 $0xFFFFFC00  }
0x2ca: {  	v4 =	vld [tilespmem:s21+$0x7840]  }
0x2cb: {  	v5 =	vld [tilespmem:s21+$0x7C40];
	_ =	sdelay $0x1  }
0x2cc: {  	v6 =	vld [tilespmem:s21+$0x8040];
	_ =	sdelay $0x1  }
0x2cd: {  	v7 =	vld [tilespmem:s21+$0x8440]  }
0x2ce: {  	v4 =	vadd.f32 v5, v4  }
0x2cf: {  	v5 =	vld [tilespmem:s21+$0x8840]  }
0x2d0: {  	v4 =	vadd.f32 v6, v4  }
0x2d1: {  	v6 =	vld [tilespmem:s21+$0x8C40]  }
0x2d2: {  	v4 =	vadd.f32 v7, v4  }
0x2d3: {  	v7 =	vld [tilespmem:s21+$0x9040]  }
0x2d4: {  	v4 =	vadd.f32 v5, v4  }
0x2d5: {  	v5 =	vld [tilespmem:s21+$0x9440]  }
0x2d6: {  	s20 =	simm.s32 $0x10;
	v8 =	vld [tilespmem:s21+$0x9840];
	v4 =	vadd.f32 v6, v4  }
0x2d7: {  	v9 =	vld [tilespmem:s20+$0x7840]  }
0x2d8: {  	v6 =	vld [tilespmem:s21+$0x9C40];
	v4 =	vadd.f32 v7, v4  }
0x2d9: {  	v7 =	vld [tilespmem:s20+$0x7C40]  }
0x2da: {  	v10 =	vld [tilespmem:s20+$0x8040];
	v4 =	vadd.f32 v5, v4  }
0x2db: {  	v5 =	vld [tilespmem:s21+$0xA040]  }
0x2dc: {  	v11 =	vld [tilespmem:s20+$0x8440];
	v4 =	vadd.f32 v8, v4  }
0x2dd: {  	v8 =	vld [tilespmem:s21+$0xA440]  }
0x2de: {  	v7 =	vadd.f32 v7, v9;
	v9 =	vld [tilespmem:s20+$0x8840];
	v4 =	vadd.f32 v6, v4  }
0x2df: {  	v6 =	vld [tilespmem:s21+$0xA840]  }
0x2e0: {  	v7 =	vadd.f32 v10, v7;
	v10 =	vld [tilespmem:s20+$0x8C40];
	v4 =	vadd.f32 v5, v4  }
0x2e1: {  	v5 =	vld [tilespmem:s21+$0xAC40]  }
0x2e2: {  	v62 =	vld [tilespmem:s20+$0x9040];
	v7 =	vadd.f32 v11, v7;
	v4 =	vadd.f32 v8, v4  }
0x2e3: {  	v11 =	vld [tilespmem:s21+$0xB040]  }
0x2e4: {  	v8 =	vadd.f32 v9, v7;
	v7 =	vld [tilespmem:s20+$0x9440];
	v9 =	vadd.f32 v6, v4  }
0x2e5: {  	v6 =	vld [tilespmem:s21+$0xB440]  }
0x2e6: {  	v4 =	vld [tilespmem:s20+$0x9C40];
	v10 =	vadd.f32 v10, v8;
	v63 =	vadd.f32 v5, v9  }
0x2e7: {  	s22 =	simm.s32 $0x20;
	v8 =	vld [tilespmem:s20+$0x9840]  }
0x2e8: {  	s23 =	simm.s32 $0xC0;
	v5 =	vld [tilespmem:s22+$0x7840];
	v9 =	vadd.f32 v62, v10;
	v10 =	vadd.f32 v11, v63  }
.LBB2_21:
0x2e9: {  	p0 =	sne.s32 s23, $0xFC0;
	v11 =	vld [tilespmem:s22+$0x7C40]  }
0x2ea: {  	v7 =	vadd.f32 v7, v9;
	v9 =	vld [tilespmem:s20+$0xA040];
	v6 =	vadd.f32 v6, v10  }
0x2eb: {  	v10 =	vld [tilespmem:s22+$0x8040]  }
0x2ec: {  	v7 =	vadd.f32 v8, v7;
	v8 =	vld [tilespmem:s20+$0xA440];
	[tilespmem:s21+$0xB840] =	vst v6;
	s21 =	smov.u32 s20;
	s20 =	smov.u32 s22  }
0x2ed: {  	v6 =	vld [tilespmem:s20+$0x8440]  }
0x2ee: {  	v5 =	vadd.f32 v11, v5;
	v4 =	vadd.f32 v4, v7;
	v7 =	vld [tilespmem:s21+$0xA840]  }
0x2ef: {  	v11 =	vld [tilespmem:s20+$0x8840]  }
0x2f0: {  	v5 =	vadd.f32 v10, v5;
	v4 =	vadd.f32 v9, v4;
	v9 =	vld [tilespmem:s21+$0xAC40]  }
0x2f1: {  	v10 =	vld [tilespmem:s20+$0x8C40]  }
0x2f2: {  	v5 =	vadd.f32 v6, v5;
	v4 =	vadd.f32 v8, v4;
	v12 =	vld [tilespmem:s21+$0xB040]  }
0x2f3: {  	v13 =	vld [tilespmem:s20+$0x9040]  }
.Ltmp11:
0x2f4: {  	v5 =	vadd.f32 v11, v5;
	v8 =	vadd.f32 v7, v4;
	v6 =	vld [tilespmem:s21+$0xB440];
	(pc) =	sbr.rel @p0 .LBB2_21-.Ltmp11, $4  }
0x2f5: {  	v7 =	vld [tilespmem:s20+$0x9440]  }
0x2f6: {  	v10 =	vadd.f32 v10, v5;
	v4 =	vld [tilespmem:s20+$0x9C40];
	v11 =	vadd.f32 v9, v8  }
0x2f7: {  	s22 =	sshra.s32 s23, $0x2;
	v8 =	vld [tilespmem:s20+$0x9840]  }
0x2f8: {  	s23 =	sadd.s32 $0x40, s23;
	v5 =	vld [tilespmem:s22+$0x7840];
	v9 =	vadd.f32 v13, v10;
	v10 =	vadd.f32 v12, v11  }
0x2f9: {  	v11 =	vld [tilespmem:s22+$0x7C40]  }
0x2fa: {  	v12 =	vld [tilespmem:s20+$0xA040];
	v6 =	vadd.f32 v6, v10  }
0x2fb: {  	v49 =	vld [tilespmem:s22+$0x8040]  }
0x2fc: {  	v13 =	vld [tilespmem:s20+$0xA440];
	v7 =	vadd.f32 v7, v9;
	[tilespmem:s21+$0xB840] =	vst v6  }
0x2fd: {  	v6 =	vld [tilespmem:s22+$0x8440]  }
0x2fe: {  	v7 =	vadd.f32 v8, v7;
	v5 =	vadd.f32 v11, v5  }
0x2ff: {  	v50 =	vld [tilespmem:s22+$0x8840]  }
0x300: {  	v51 =	vld [tilespmem:s20+$0xA840];
	v4 =	vadd.f32 v4, v7;
	v5 =	vadd.f32 v49, v5  }
0x301: {  	v52 =	vld [tilespmem:s22+$0x8C40]  }
0x302: {  	v53 =	vld [tilespmem:s20+$0xAC40];
	v4 =	vadd.f32 v12, v4;
	v5 =	vadd.f32 v6, v5  }
0x303: {  	v54 =	vld [tilespmem:s22+$0x9040]  }
0x304: {  	v55 =	vld [tilespmem:s20+$0xB040];
	v4 =	vadd.f32 v13, v4;
	v5 =	vadd.f32 v50, v5  }
0x305: {  	v56 =	vld [tilespmem:s22+$0x9440]  }
0x306: {  	v57 =	vld [tilespmem:s20+$0xB440];
	v4 =	vadd.f32 v51, v4;
	v5 =	vadd.f32 v52, v5  }
0x307: {  	v58 =	vld [tilespmem:s22+$0x9840]  }
0x308: {  	v4 =	vadd.f32 v53, v4;
	v5 =	vadd.f32 v54, v5  }
0x309: {  	v59 =	vld [tilespmem:s22+$0x9C40]  }
0x30a: {  	v4 =	vadd.f32 v55, v4;
	v5 =	vadd.f32 v56, v5  }
0x30b: {  	v60 =	vld [tilespmem:s22+$0xA040]  }
0x30c: {  	v4 =	vadd.f32 v57, v4;
	v5 =	vadd.f32 v58, v5  }
0x30d: {  	v61 =	vld [tilespmem:s22+$0xA440]  }
0x30e: {  	[tilespmem:s20+$0xB840] =	vst v4;
	v4 =	vadd.f32 v59, v5  }
0x30f: {  	v5 =	vld [tilespmem:s22+$0xA840]  }
0x310: {  	v4 =	vadd.f32 v60, v4  }
0x311: {  	v62 =	vld [tilespmem:s22+$0xAC40]  }
0x312: {  	v4 =	vadd.f32 v61, v4  }
0x313: {  	v63 =	vld [tilespmem:s22+$0xB040]  }
0x314: {  	v4 =	vadd.f32 v5, v4  }
0x315: {  	v5 =	vld [tilespmem:s22+$0xB440]  }
0x316: {  	v4 =	vadd.f32 v62, v4;
	_ =	sdelay $0x1  }
0x317: {  	v4 =	vadd.f32 v63, v4;
	_ =	sdelay $0x1  }
0x318: {  	v4 =	vadd.f32 v5, v4;
	_ =	sdelay $0x1  }
0x319: {  	s23 =	rddreg [dreg:$0x3];
	[tilespmem:s22+$0xB840] =	vst v4;
	s22 =	simm.s32 $0x0  }
0x31a: {  	[hbm4b:s23+s22] =	stream.linear.scatter [tilespmem:s24], [sflag:$0xB], $0x400, $0x38;
	[tilespmem:$0xBC40] =	vst v63  }
0x31b: {  	_ =	swait.ge [sflag:s10], $0x400  }
0x31c: {  	s25 =	rddreg [dreg:$0x5]  }
0x31d: {  	s26 =	rddreg [dreg:$0x4];
	s21 =	sadd.s32 $0x1, s25  }
0x31e: {  	p0 =	sne.s32 s21, s26  }
.Ltmp12:
0x31f: {  	_ = 	snop;
	(pc) =	sbr.rel @p0 .LBB2_1-.Ltmp12, $3  }
0x320: {  	_ =	sdelay $0x1  }
0x321: {  	[sflag:s10] =	ssyncset.done $0x0  }
0x322: {  	[sflag:s10] =	ssyncadd.s32 $0xFFFFFC00  }
0x323: {  	_ =	sfence.sel $0x180000  }
0x324: {  	[bflag:$0x0] =	sbarrier.arrive $0xFFFF  }
0x325: {  	_ =	strace $0x90000047  }
0x326: {  	s0 =	stileid.u32;
	[bflag:$0x2] =	sbarrier.arrive $0xFFFF  }
0x327: {  	p0 =	sne.s32 s0, $0x0;
	s0 =	rddreg [dreg:$0x1]  }
0x328: {  	s0 =	sadd.s32 @!p0 $0x100000, s0  }
0x329: {  	[sflag:s0] =	ssyncadd.tile.s32 @!p0 $0x1;
	_ =	shalt  }
.Lfunc_end2:
_tile_overlayer_lowered:
.L_overlay_start_2:
0x32a: {  	(tag) =	ssettag $0x2  }
0x32b: {  	s0 =	rddreg [dreg:$0x0];
	s2 =	stileid.u32  }
0x32c: {  	s1 =	rddreg [dreg:$0x1];
	p0 =	sne.s32 s2, $0x0  }
0x32d: {  	s3 =	rddreg [dreg:$0x2];
	[bflag:$0x3] =	sbarrier.arrive $0xFFFF;
	s2 =	simm.s32 @!p0 $0x1C0B  }
0x32e: {  	[timem:s3], [sflag:s2] =	dma.local @!p0 [hbm:s0], s1  }
0x32f: {  	s0 =	simm.s32 @!p0 $0xB  }
0x330: {  	_ =	swait.ge @!p0 [sflag:s0], s1  }
0x331: {  	s1 =	ssub.s32 @!p0 $0x0, s1;
	[sflag:s0] =	ssyncset.done @!p0 $0x0  }
0x332: {  	[sflag:s0] =	ssyncadd.s32 @!p0 s1  }
0x333: {  	[bflag:$0x3] =	sbarrier.arrive $0xFFFF  }
0x334: {  	_ =	shalt  }

</sc_bundles>
